<compile_context>
chip_gen: v7x
topology: tpu7x:2x2x1
jax: 0.10.2.dev20260603
libtpu: 0.0.44.dev20260713+nightly
codegen_flags: <defaults>
</compile_context>

<pallas_src>
import functools

import jax
import jax.numpy as jnp
from jax import lax
from jax.experimental import pallas as pl
from jax.experimental.pallas import tpu as pltpu
from jax.experimental.pallas import tpu_sc as plsc

NC = 2
NS = 16
L = 16
NW = NC * NS
B = 128
S = 2048
SHIFT = 21
MIXB = 0x9E3779B9 - (1 << 32)
MIXA = 0x9E3779B1 - (1 << 32)


def _hash(xb, yb, salt_a):
    mixed = (xb * salt_a) ^ (yb * jnp.int32(MIXB))
    return lax.shift_right_logical(mixed, jnp.int32(SHIFT))


def _make_lookup(P, K):
    C = P // NW
    n_blocks = C // B
    KP = 2 * L
    assert K <= KP
    mesh = plsc.VectorSubcoreMesh(core_axis_name="c", subcore_axis_name="s")

    @functools.partial(
        pl.kernel,
        out_type=jax.ShapeDtypeStruct((P,), jnp.int32),
        scratch_types=[
            pltpu.VMEM((3, KP), jnp.float32),
            pltpu.VMEM((S,), jnp.int32),
            pltpu.VMEM((2 * C,), jnp.float32),
            pltpu.VMEM((C,), jnp.int32),
        ],
        mesh=mesh,
        compiler_params=pltpu.CompilerParams(needs_layout_passes=False),
    )
    def run(tab_h, pts_h, out_h, tab_v, slots_v, pts_v, out_v):
        wid = lax.axis_index("s") * NC + lax.axis_index("c")
        base = wid * C
        pltpu.sync_copy(tab_h, tab_v)
        pltpu.sync_copy(pts_h.at[pl.ds(base * 2, 2 * C)], pts_v)

        lanes = lax.iota(jnp.int32, L)
        zero_f = jnp.zeros((L,), jnp.float32)
        xb0 = plsc.bitcast(tab_v[0, pl.ds(0, L)] + zero_f, jnp.int32)
        yb0 = plsc.bitcast(tab_v[1, pl.ds(0, L)] + zero_f, jnp.int32)
        xb1 = plsc.bitcast(tab_v[0, pl.ds(L, L)] + zero_f, jnp.int32)
        yb1 = plsc.bitcast(tab_v[1, pl.ds(L, L)] + zero_f, jnp.int32)
        iv0 = tab_v[2, pl.ds(0, L)].astype(jnp.int32)
        iv1 = tab_v[2, pl.ds(L, L)].astype(jnp.int32)
        mask1 = lanes < jnp.int32(K - L)

        def try_salt(carry):
            salt, _ = carry
            salt_a = jnp.full((L,), 2 * salt + 1, jnp.int32) * jnp.int32(MIXA)
            h0 = _hash(xb0, yb0, salt_a)
            h1 = _hash(xb1, yb1, salt_a)
            plsc.store_scatter(slots_v, [h0], lanes)
            plsc.store_scatter(slots_v, [h1], lanes + L, mask=mask1)
            g0 = plsc.load_gather(slots_v, [h0])
            g1 = plsc.load_gather(slots_v, [h1])
            ok = jnp.all((g0 == lanes) & ((g1 == lanes + L) | ~mask1))
            return salt + 1, ok

        def not_done(carry):
            _, ok = carry
            return ~ok

        final_salt, _ = lax.while_loop(not_done, try_salt, (jnp.int32(0), jnp.bool_(False)))
        salt_a = jnp.full((L,), 2 * (final_salt - 1) + 1, jnp.int32) * jnp.int32(MIXA)
        h0 = _hash(xb0, yb0, salt_a)
        h1 = _hash(xb1, yb1, salt_a)
        plsc.store_scatter(slots_v, [h0], iv0)
        plsc.store_scatter(slots_v, [h1], iv1, mask=mask1)

        @plsc.parallel_loop(0, n_blocks, unroll=2)
        def block(t):
            off = t * (2 * B)
            ob = t * B
            for j in range(B // L):
                xv = pts_v[pl.ds(off + L * j, L)] + zero_f
                yv = pts_v[pl.ds(off + B + L * j, L)] + zero_f
                h = _hash(plsc.bitcast(xv, jnp.int32),
                          plsc.bitcast(yv, jnp.int32), salt_a)
                out_v[pl.ds(ob + L * j, L)] = plsc.load_gather(slots_v, [h])
        pltpu.sync_copy(out_v, out_h.at[pl.ds(base, C)])

    return run


def kernel(nodes, nodes_table, indices):
    original_shape = nodes.shape
    pts = nodes.reshape(-1, 2)
    P = pts.shape[0]
    K = nodes_table.shape[0]
    flat = pts.reshape(P // B, B, 2).transpose(0, 2, 1).reshape(2 * P)
    pad = 2 * L - K
    tab = jnp.pad(jnp.stack([nodes_table[:, 0], nodes_table[:, 1],
                             indices.astype(jnp.float32)]),
                  ((0, 0), (0, pad)))
    out = _make_lookup(P, K)(tab, flat)
    return out.reshape(original_shape[:-1])

# --- scband reference (transcript-rebuilt; emitter-appended) ---
"""Pipeline reference for scband-mini-matrix-graph-57088705298926 (READ-ONLY COPY).

The authoritative reference and input builder live on the scoring server;
editing this copy changes nothing except your own understanding.
"""

import jax, jax.numpy as jnp
import numpy as np

_COORDS = [(0.5454545454545454, 0.76), (0.6022727272727273, 0.76), (0.5454545454545454, 0.86), (0.6022727272727273, 0.86), (0.4772727272727273, 0.76), (0.42045454545454547, 0.76), (0.42045454545454547, 0.86), (0.4772727272727273, 0.86), (0.32954545454545453, 0.808), (0.42045454545454547, 0.48), (0.4772727272727273, 0.48), (0.4772727272727273, 0.38), (0.42045454545454547, 0.38), (0.32954545454545453, 0.428), (0.5727272727272728, 0.62), (0.7613636363636364, 0.76), (0.8181818181818182, 0.76), (0.8181818181818182, 0.86), (0.7613636363636364, 0.86), (0.7909090909090909, 0.62), (0.9431818181818182, 0.76), (1.0, 0.76), (1.0, 0.86), (0.9431818181818182, 0.86), (0.9727272727272728, 0.62), (0.9727272727272728, 1.0), (0.0, 0.0)]


def setup_inputs(seed: int = 0) -> dict:
    key = jax.random.key(seed)
    N = 262144
    # Query points; zeros match the dummy node (0.0, 0.0) at index 26,
    # guaranteeing exactly one match per point (required by the module).
    nodes = jnp.zeros((N, 2), dtype=jnp.float32)
    # Persistent buffers from Graph.__init__ (MiniMatrixGraph node table + dummy).
    nodes_table = jnp.asarray(np.array(_COORDS, dtype=np.float32))
    indices = jnp.arange(0, nodes_table.shape[0], dtype=jnp.int64)
    return {"nodes": nodes, "nodes_table": nodes_table, "indices": indices}


def reference(nodes, nodes_table, indices):
    # Faithful translation of Graph.get_node_indices (the module's runnable op).
    original_shape = nodes.shape
    points = nodes.reshape(-1, 2)
    P = points.shape[0]
    K = nodes_table.shape[0]
    # points[:, None, :].repeat(1, len(self.nodes), 1)
    points_rep = jnp.repeat(points[:, None, :], K, axis=1)
    # self.nodes.repeat(len(points), 1, 1)
    nodes_rep = jnp.tile(nodes_table[None, :, :], (P, 1, 1))
    choice = jnp.all(points_rep == nodes_rep, axis=2)
    # self.indices.repeat(len(points), 1)[choice]
    # Exactly one match per point is guaranteed by the module, so the
    # boolean-mask gather selects precisely the unique matching column.
    match_col = jnp.argmax(choice, axis=1)
    out = indices[match_col].reshape(original_shape[:-1])
    return out

if __name__ == "__main__":
    import jax
    _d = setup_inputs()
    print(jax.jit(kernel)(*tuple(_d.values())))

</pallas_src>

<mosaic_0001>
#map = affine_map<(d0, d1) -> (0, 0)>
#map1 = affine_map<(d0, d1) -> (0)>
module attributes {stable_mosaic.version = 14 : i64} {
  func.func @run(%arg0: i32, %arg1: i32, %arg2: memref<3x32xf32, #tpu.memory_space<hbm>>, %arg3: memref<524288xf32, #tpu.memory_space<hbm>>, %arg4: memref<262144xi32, #tpu.memory_space<hbm>>, %arg5: memref<3x32xf32, #tpu.memory_space<vmem>>, %arg6: memref<2048xi32, #tpu.memory_space<vmem>>, %arg7: memref<16384xf32, #tpu.memory_space<vmem>>, %arg8: memref<8192xi32, #tpu.memory_space<vmem>>) attributes {dimension_semantics = [#tpu.dimension_semantics<core_parallel>, #tpu.dimension_semantics<subcore_parallel>], iteration_bounds = array<i64: 2, 16>, scalar_prefetch = 0 : i64, scratch_operands = 4 : i64, tpu.core_type = #tpu.core_type<sc_vector_subcore>, window_params = [{transform_indices = #map}, {transform_indices = #map1}, {transform_indices = #map1}]} {
    %mul3A = arith.constant 2 : i32
    %mul3A_0 = arith.muli %arg1, %mul3A : i32
    %add3A = arith.addi %mul3A_0, %arg0 : i32
    %mul3A_1 = arith.constant 8192 : i32
    %mul3A_2 = arith.muli %add3A, %mul3A_1 : i32
    "tpu.region"() ({
      %run_scoped3A = tpu.sem_alloc : memref<!tpu.dma_semaphore, #tpu.memory_space<semaphore_mem>>
      tpu.enqueue_dma source(%arg2 : memref<3x32xf32, #tpu.memory_space<hbm>>) target(%arg5 : memref<3x32xf32, #tpu.memory_space<vmem>>) target_semaphore(%run_scoped3A : memref<!tpu.dma_semaphore, #tpu.memory_space<semaphore_mem>>)
      tpu.wait_dma2 semaphore(%run_scoped3A : memref<!tpu.dma_semaphore, #tpu.memory_space<semaphore_mem>>) src(%arg2 : memref<3x32xf32, #tpu.memory_space<hbm>>) dst(%arg5 : memref<3x32xf32, #tpu.memory_space<vmem>>)
      tpu.yield
    }) : () -> ()
    %mul3A_3 = arith.constant 2 : i32
    %mul3A_4 = arith.muli %mul3A_2, %mul3A_3 : i32
    "tpu.region"() ({
      %run_scoped3A = tpu.sem_alloc : memref<!tpu.dma_semaphore, #tpu.memory_space<semaphore_mem>>
      %dma_start3A = tpu.memref_slice %arg3[%mul3A_4] : memref<524288xf32, #tpu.memory_space<hbm>> -> memref<16384xf32, #tpu.memory_space<hbm>>
      %dma_start3A_66 = tpu.memref_slice %arg3[%mul3A_4] : memref<524288xf32, #tpu.memory_space<hbm>> -> memref<16384xf32, #tpu.memory_space<hbm>>
      tpu.enqueue_dma source(%dma_start3A_66 : memref<16384xf32, #tpu.memory_space<hbm>>) target(%arg7 : memref<16384xf32, #tpu.memory_space<vmem>>) target_semaphore(%run_scoped3A : memref<!tpu.dma_semaphore, #tpu.memory_space<semaphore_mem>>)
      %dma_wait3A = tpu.memref_slice %arg3[%mul3A_4] : memref<524288xf32, #tpu.memory_space<hbm>> -> memref<16384xf32, #tpu.memory_space<hbm>>
      %dma_wait3A_67 = tpu.memref_slice %arg3[%mul3A_4] : memref<524288xf32, #tpu.memory_space<hbm>> -> memref<16384xf32, #tpu.memory_space<hbm>>
      tpu.wait_dma2 semaphore(%run_scoped3A : memref<!tpu.dma_semaphore, #tpu.memory_space<semaphore_mem>>) src(%dma_wait3A_67 : memref<16384xf32, #tpu.memory_space<hbm>>) dst(%arg7 : memref<16384xf32, #tpu.memory_space<vmem>>)
      tpu.yield
    }) : () -> ()
    %iota3A = tpu.iota {dimensions = array<i32: 0>} : vector<16xi32>
    %broadcast_in_dim3A = arith.constant 0.000000e+00 : f32
    %broadcast_in_dim3A_5 = vector.broadcast %broadcast_in_dim3A : f32 to vector<16xf32>
    %get3A = arith.constant 0 : i32
    %get3A_6 = arith.index_cast %get3A : i32 to index
    %get3A_7 = arith.constant 0 : index
    %get3A_8 = tpu.vector_load %arg5[%get3A_6, %get3A_7] {strides = array<i32>} : memref<3x32xf32, #tpu.memory_space<vmem>>, vector<16xf32>,
    %add3A_9 = arith.addf %get3A_8, %broadcast_in_dim3A_5 : vector<16xf32>
    %bitcast3A = vector.bitcast %add3A_9 : vector<16xf32> to vector<16xi32>
    %get3A_10 = arith.constant 1 : i32
    %get3A_11 = arith.index_cast %get3A_10 : i32 to index
    %get3A_12 = arith.constant 0 : index
    %get3A_13 = tpu.vector_load %arg5[%get3A_11, %get3A_12] {strides = array<i32>} : memref<3x32xf32, #tpu.memory_space<vmem>>, vector<16xf32>,
    %add3A_14 = arith.addf %get3A_13, %broadcast_in_dim3A_5 : vector<16xf32>
    %bitcast3A_15 = vector.bitcast %add3A_14 : vector<16xf32> to vector<16xi32>
    %get3A_16 = arith.constant 0 : i32
    %get3A_17 = arith.index_cast %get3A_16 : i32 to index
    %get3A_18 = arith.constant 16 : index
    %get3A_19 = tpu.vector_load %arg5[%get3A_17, %get3A_18] {strides = array<i32>} : memref<3x32xf32, #tpu.memory_space<vmem>>, vector<16xf32>,
    %add3A_20 = arith.addf %get3A_19, %broadcast_in_dim3A_5 : vector<16xf32>
    %bitcast3A_21 = vector.bitcast %add3A_20 : vector<16xf32> to vector<16xi32>
    %get3A_22 = arith.constant 1 : i32
    %get3A_23 = arith.index_cast %get3A_22 : i32 to index
    %get3A_24 = arith.constant 16 : index
    %get3A_25 = tpu.vector_load %arg5[%get3A_23, %get3A_24] {strides = array<i32>} : memref<3x32xf32, #tpu.memory_space<vmem>>, vector<16xf32>,
    %add3A_26 = arith.addf %get3A_25, %broadcast_in_dim3A_5 : vector<16xf32>
    %bitcast3A_27 = vector.bitcast %add3A_26 : vector<16xf32> to vector<16xi32>
    %get3A_28 = arith.constant 2 : i32
    %get3A_29 = arith.index_cast %get3A_28 : i32 to index
    %get3A_30 = arith.constant 0 : index
    %get3A_31 = tpu.vector_load %arg5[%get3A_29, %get3A_30] {strides = array<i32>} : memref<3x32xf32, #tpu.memory_space<vmem>>, vector<16xf32>,
    %convert_element_type3A = arith.fptosi %get3A_31 : vector<16xf32> to vector<16xi32>
    %get3A_32 = arith.constant 2 : i32
    %get3A_33 = arith.index_cast %get3A_32 : i32 to index
    %get3A_34 = arith.constant 16 : index
    %get3A_35 = tpu.vector_load %arg5[%get3A_33, %get3A_34] {strides = array<i32>} : memref<3x32xf32, #tpu.memory_space<vmem>>, vector<16xf32>,
    %convert_element_type3A_36 = arith.fptosi %get3A_35 : vector<16xf32> to vector<16xi32>
    %lt3A = arith.constant 11 : i32
    %lt3A_37 = vector.broadcast %lt3A : i32 to vector<16xi32>
    %lt3A_38 = arith.cmpi slt, %iota3A, %lt3A_37 : vector<16xi32>
    %while3A = arith.constant 0 : i32
    %while3A_39 = arith.constant false
    %while3A_40:2 = scf.while (%while3A_66 = %while3A, %while3A_67 = %while3A_39) : (i32, i1) -> (i32, i1) {
      %not3A = arith.constant true
      %not3A_68 = arith.xori %while3A_67, %not3A : i1
      scf.condition(%not3A_68) %while3A_66, %while3A_67 : i32, i1
    } do {
    ^bb0(%while3A_66: i32, %while3A_67: i1):
      %mul3A_68 = arith.constant 2 : i32
      %mul3A_69 = arith.muli %mul3A_68, %while3A_66 : i32
      %add3A_70 = arith.constant 1 : i32
      %add3A_71 = arith.addi %mul3A_69, %add3A_70 : i32
      %broadcast_in_dim3A_72 = vector.broadcast %add3A_71 : i32 to vector<16xi32>
      %mul3A_73 = arith.constant -1640531535 : i32
      %mul3A_74 = vector.broadcast %mul3A_73 : i32 to vector<16xi32>
      %mul3A_75 = arith.muli %broadcast_in_dim3A_72, %mul3A_74 : vector<16xi32>
      %mul3A_76 = arith.muli %bitcast3A, %mul3A_75 : vector<16xi32>
      %mul3A_77 = arith.constant -1640531527 : i32
      %mul3A_78 = vector.broadcast %mul3A_77 : i32 to vector<16xi32>
      %mul3A_79 = arith.muli %bitcast3A_15, %mul3A_78 : vector<16xi32>
      %xor3A_80 = arith.xori %mul3A_76, %mul3A_79 : vector<16xi32>
      %shift_right_logical3A_81 = arith.constant 21 : i32
      %shift_right_logical3A_82 = vector.broadcast %shift_right_logical3A_81 : i32 to vector<16xi32>
      %shift_right_logical3A_83 = arith.shrui %xor3A_80, %shift_right_logical3A_82 : vector<16xi32>
      %mul3A_84 = arith.muli %bitcast3A_21, %mul3A_75 : vector<16xi32>
      %mul3A_85 = arith.constant -1640531527 : i32
      %mul3A_86 = vector.broadcast %mul3A_85 : i32 to vector<16xi32>
      %mul3A_87 = arith.muli %bitcast3A_27, %mul3A_86 : vector<16xi32>
      %xor3A_88 = arith.xori %mul3A_84, %mul3A_87 : vector<16xi32>
      %shift_right_logical3A_89 = arith.constant 21 : i32
      %shift_right_logical3A_90 = vector.broadcast %shift_right_logical3A_89 : i32 to vector<16xi32>
      %shift_right_logical3A_91 = arith.shrui %xor3A_88, %shift_right_logical3A_90 : vector<16xi32>
      tpu.vector_store_idx %arg6[%shift_right_logical3A_83], %iota3A : memref<2048xi32, #tpu.memory_space<vmem>>[vector<16xi32>], vector<16xi32>,
      %add3A_92 = arith.constant 16 : i32
      %add3A_93 = vector.broadcast %add3A_92 : i32 to vector<16xi32>
      %add3A_94 = arith.addi %iota3A, %add3A_93 : vector<16xi32>
      tpu.vector_store_idx %arg6[%shift_right_logical3A_91], %add3A_94 masked %lt3A_38 : memref<2048xi32, #tpu.memory_space<vmem>>[vector<16xi32>], vector<16xi32>, vector<16xi1>
      %gather3A = tpu.vector_load_idx %arg6[%shift_right_logical3A_83] : memref<2048xi32, #tpu.memory_space<vmem>>[vector<16xi32>], vector<16xi32>,
      %gather3A_95 = tpu.vector_load_idx %arg6[%shift_right_logical3A_91] : memref<2048xi32, #tpu.memory_space<vmem>>[vector<16xi32>], vector<16xi32>,
      %eq3A = arith.cmpi eq, %gather3A, %iota3A : vector<16xi32>
      %add3A_96 = arith.constant 16 : i32
      %add3A_97 = vector.broadcast %add3A_96 : i32 to vector<16xi32>
      %add3A_98 = arith.addi %iota3A, %add3A_97 : vector<16xi32>
      %eq3A_99 = arith.cmpi eq, %gather3A_95, %add3A_98 : vector<16xi32>
      %not3A = arith.constant dense<true> : vector<16xi1>
      %not3A_100 = arith.xori %lt3A_38, %not3A : vector<16xi1>
      %or3A = arith.ori %eq3A_99, %not3A_100 : vector<16xi1>
      %and3A = arith.andi %eq3A, %or3A : vector<16xi1>
      %reduce_and3A = arith.constant 1.000000e+00 : f32
      %reduce_and3A_101 = arith.constant 0.000000e+00 : f32
      %reduce_and3A_102 = vector.broadcast %reduce_and3A : f32 to vector<16xf32>
      %reduce_and3A_103 = vector.broadcast %reduce_and3A_101 : f32 to vector<16xf32>
      %reduce_and3A_104 = arith.select %and3A, %reduce_and3A_102, %reduce_and3A_103 : vector<16xi1>, vector<16xf32>
      %reduce_and3A_105 = arith.constant true
      %reduce_and3A_106 = vector.broadcast %reduce_and3A_105 : i1 to vector<16xi1>
      %reduce_and3A_107 = tpu.scan <min>, %reduce_and3A_104 masked %reduce_and3A_106 : vector<16xf32>, vector<16xi1> -> vector<16xf32>
      %reduce_and3A_108 = vector.extract %reduce_and3A_107[15] : f32 from vector<16xf32>
      %reduce_and3A_109 = arith.constant 0.000000e+00 : f32
      %reduce_and3A_110 = arith.cmpf ogt, %reduce_and3A_108, %reduce_and3A_109 : f32
      %add3A_111 = arith.constant 1 : i32
      %add3A_112 = arith.addi %while3A_66, %add3A_111 : i32
      scf.yield %add3A_112, %reduce_and3A_110 : i32, i1
    }
    %sub3A = arith.constant 1 : i32
    %sub3A_41 = arith.subi %while3A_40#0, %sub3A : i32
    %mul3A_42 = arith.constant 2 : i32
    %mul3A_43 = arith.muli %mul3A_42, %sub3A_41 : i32
    %add3A_44 = arith.constant 1 : i32
    %add3A_45 = arith.addi %mul3A_43, %add3A_44 : i32
    %broadcast_in_dim3A_46 = vector.broadcast %add3A_45 : i32 to vector<16xi32>
    %mul3A_47 = arith.constant -1640531535 : i32
    %mul3A_48 = vector.broadcast %mul3A_47 : i32 to vector<16xi32>
    %mul3A_49 = arith.muli %broadcast_in_dim3A_46, %mul3A_48 : vector<16xi32>
    %mul3A_50 = arith.muli %bitcast3A, %mul3A_49 : vector<16xi32>
    %mul3A_51 = arith.constant -1640531527 : i32
    %mul3A_52 = vector.broadcast %mul3A_51 : i32 to vector<16xi32>
    %mul3A_53 = arith.muli %bitcast3A_15, %mul3A_52 : vector<16xi32>
    %xor3A = arith.xori %mul3A_50, %mul3A_53 : vector<16xi32>
    %shift_right_logical3A = arith.constant 21 : i32
    %shift_right_logical3A_54 = vector.broadcast %shift_right_logical3A : i32 to vector<16xi32>
    %shift_right_logical3A_55 = arith.shrui %xor3A, %shift_right_logical3A_54 : vector<16xi32>
    %mul3A_56 = arith.muli %bitcast3A_21, %mul3A_49 : vector<16xi32>
    %mul3A_57 = arith.constant -1640531527 : i32
    %mul3A_58 = vector.broadcast %mul3A_57 : i32 to vector<16xi32>
    %mul3A_59 = arith.muli %bitcast3A_27, %mul3A_58 : vector<16xi32>
    %xor3A_60 = arith.xori %mul3A_56, %mul3A_59 : vector<16xi32>
    %shift_right_logical3A_61 = arith.constant 21 : i32
    %shift_right_logical3A_62 = vector.broadcast %shift_right_logical3A_61 : i32 to vector<16xi32>
    %shift_right_logical3A_63 = arith.shrui %xor3A_60, %shift_right_logical3A_62 : vector<16xi32>
    tpu.vector_store_idx %arg6[%shift_right_logical3A_55], %convert_element_type3A : memref<2048xi32, #tpu.memory_space<vmem>>[vector<16xi32>], vector<16xi32>,
    tpu.vector_store_idx %arg6[%shift_right_logical3A_63], %convert_element_type3A_36 masked %lt3A_38 : memref<2048xi32, #tpu.memory_space<vmem>>[vector<16xi32>], vector<16xi32>, vector<16xi1>
    %parallel_loop3A = arith.constant 0 : i32
    %parallel_loop3A_64 = arith.constant 64 : i32
    %parallel_loop3A_65 = arith.constant 1 : i32
    scf.for %parallel_loop3A_66 = %parallel_loop3A to %parallel_loop3A_64 step %parallel_loop3A_65  : i32 {
      %parallel_loop3A_67 = arith.constant 256 : i32
      %parallel_loop3A_68 = arith.muli %parallel_loop3A_66, %parallel_loop3A_67 : i32
      %parallel_loop3A_69 = arith.constant 128 : i32
      %parallel_loop3A_70 = arith.muli %parallel_loop3A_66, %parallel_loop3A_69 : i32
      %parallel_loop3A_71 = arith.constant 0 : i32
      %parallel_loop3A_72 = arith.addi %parallel_loop3A_68, %parallel_loop3A_71 : i32
      %parallel_loop3A_73 = arith.index_cast %parallel_loop3A_72 : i32 to index
      %parallel_loop3A_74 = tpu.vector_load %arg7[%parallel_loop3A_73] {strides = array<i32>} : memref<16384xf32, #tpu.memory_space<vmem>>, vector<16xf32>,
      %parallel_loop3A_75 = arith.addf %parallel_loop3A_74, %broadcast_in_dim3A_5 : vector<16xf32>
      %parallel_loop3A_76 = arith.constant 128 : i32
      %parallel_loop3A_77 = arith.addi %parallel_loop3A_68, %parallel_loop3A_76 : i32
      %parallel_loop3A_78 = arith.constant 0 : i32
      %parallel_loop3A_79 = arith.addi %parallel_loop3A_77, %parallel_loop3A_78 : i32
      %parallel_loop3A_80 = arith.index_cast %parallel_loop3A_79 : i32 to index
      %parallel_loop3A_81 = tpu.vector_load %arg7[%parallel_loop3A_80] {strides = array<i32>} : memref<16384xf32, #tpu.memory_space<vmem>>, vector<16xf32>,
      %parallel_loop3A_82 = arith.addf %parallel_loop3A_81, %broadcast_in_dim3A_5 : vector<16xf32>
      %parallel_loop3A_83 = vector.bitcast %parallel_loop3A_75 : vector<16xf32> to vector<16xi32>
      %parallel_loop3A_84 = vector.bitcast %parallel_loop3A_82 : vector<16xf32> to vector<16xi32>
      %parallel_loop3A_85 = arith.muli %parallel_loop3A_83, %mul3A_49 : vector<16xi32>
      %parallel_loop3A_86 = arith.constant -1640531527 : i32
      %parallel_loop3A_87 = vector.broadcast %parallel_loop3A_86 : i32 to vector<16xi32>
      %parallel_loop3A_88 = arith.muli %parallel_loop3A_84, %parallel_loop3A_87 : vector<16xi32>
      %parallel_loop3A_89 = arith.xori %parallel_loop3A_85, %parallel_loop3A_88 : vector<16xi32>
      %parallel_loop3A_90 = arith.constant 21 : i32
      %parallel_loop3A_91 = vector.broadcast %parallel_loop3A_90 : i32 to vector<16xi32>
      %parallel_loop3A_92 = arith.shrui %parallel_loop3A_89, %parallel_loop3A_91 : vector<16xi32>
      %parallel_loop3A_93 = tpu.vector_load_idx %arg6[%parallel_loop3A_92] : memref<2048xi32, #tpu.memory_space<vmem>>[vector<16xi32>], vector<16xi32>,
      %parallel_loop3A_94 = arith.constant 0 : i32
      %parallel_loop3A_95 = arith.addi %parallel_loop3A_70, %parallel_loop3A_94 : i32
      %parallel_loop3A_96 = arith.index_cast %parallel_loop3A_95 : i32 to index
      %parallel_loop3A_97 = tpu.vector_load %arg8[%parallel_loop3A_96] {strides = array<i32>} : memref<8192xi32, #tpu.memory_space<vmem>>, vector<16xi32>,
      tpu.vector_store %arg8[%parallel_loop3A_96], %parallel_loop3A_93 {strides = array<i32>} : memref<8192xi32, #tpu.memory_space<vmem>>, vector<16xi32>,
      %parallel_loop3A_98 = arith.constant 16 : i32
      %parallel_loop3A_99 = arith.addi %parallel_loop3A_68, %parallel_loop3A_98 : i32
      %parallel_loop3A_100 = arith.index_cast %parallel_loop3A_99 : i32 to index
      %parallel_loop3A_101 = tpu.vector_load %arg7[%parallel_loop3A_100] {strides = array<i32>} : memref<16384xf32, #tpu.memory_space<vmem>>, vector<16xf32>,
      %parallel_loop3A_102 = arith.addf %parallel_loop3A_101, %broadcast_in_dim3A_5 : vector<16xf32>
      %parallel_loop3A_103 = arith.constant 128 : i32
      %parallel_loop3A_104 = arith.addi %parallel_loop3A_68, %parallel_loop3A_103 : i32
      %parallel_loop3A_105 = arith.constant 16 : i32
      %parallel_loop3A_106 = arith.addi %parallel_loop3A_104, %parallel_loop3A_105 : i32
      %parallel_loop3A_107 = arith.index_cast %parallel_loop3A_106 : i32 to index
      %parallel_loop3A_108 = tpu.vector_load %arg7[%parallel_loop3A_107] {strides = array<i32>} : memref<16384xf32, #tpu.memory_space<vmem>>, vector<16xf32>,
      %parallel_loop3A_109 = arith.addf %parallel_loop3A_108, %broadcast_in_dim3A_5 : vector<16xf32>
      %parallel_loop3A_110 = vector.bitcast %parallel_loop3A_102 : vector<16xf32> to vector<16xi32>
      %parallel_loop3A_111 = vector.bitcast %parallel_loop3A_109 : vector<16xf32> to vector<16xi32>
      %parallel_loop3A_112 = arith.muli %parallel_loop3A_110, %mul3A_49 : vector<16xi32>
      %parallel_loop3A_113 = arith.constant -1640531527 : i32
      %parallel_loop3A_114 = vector.broadcast %parallel_loop3A_113 : i32 to vector<16xi32>
      %parallel_loop3A_115 = arith.muli %parallel_loop3A_111, %parallel_loop3A_114 : vector<16xi32>
      %parallel_loop3A_116 = arith.xori %parallel_loop3A_112, %parallel_loop3A_115 : vector<16xi32>
      %parallel_loop3A_117 = arith.constant 21 : i32
      %parallel_loop3A_118 = vector.broadcast %parallel_loop3A_117 : i32 to vector<16xi32>
      %parallel_loop3A_119 = arith.shrui %parallel_loop3A_116, %parallel_loop3A_118 : vector<16xi32>
      %parallel_loop3A_120 = tpu.vector_load_idx %arg6[%parallel_loop3A_119] : memref<2048xi32, #tpu.memory_space<vmem>>[vector<16xi32>], vector<16xi32>,
      %parallel_loop3A_121 = arith.constant 16 : i32
      %parallel_loop3A_122 = arith.addi %parallel_loop3A_70, %parallel_loop3A_121 : i32
      %parallel_loop3A_123 = arith.index_cast %parallel_loop3A_122 : i32 to index
      %parallel_loop3A_124 = tpu.vector_load %arg8[%parallel_loop3A_123] {strides = array<i32>} : memref<8192xi32, #tpu.memory_space<vmem>>, vector<16xi32>,
      tpu.vector_store %arg8[%parallel_loop3A_123], %parallel_loop3A_120 {strides = array<i32>} : memref<8192xi32, #tpu.memory_space<vmem>>, vector<16xi32>,
      %parallel_loop3A_125 = arith.constant 32 : i32
      %parallel_loop3A_126 = arith.addi %parallel_loop3A_68, %parallel_loop3A_125 : i32
      %parallel_loop3A_127 = arith.index_cast %parallel_loop3A_126 : i32 to index
      %parallel_loop3A_128 = tpu.vector_load %arg7[%parallel_loop3A_127] {strides = array<i32>} : memref<16384xf32, #tpu.memory_space<vmem>>, vector<16xf32>,
      %parallel_loop3A_129 = arith.addf %parallel_loop3A_128, %broadcast_in_dim3A_5 : vector<16xf32>
      %parallel_loop3A_130 = arith.constant 128 : i32
      %parallel_loop3A_131 = arith.addi %parallel_loop3A_68, %parallel_loop3A_130 : i32
      %parallel_loop3A_132 = arith.constant 32 : i32
      %parallel_loop3A_133 = arith.addi %parallel_loop3A_131, %parallel_loop3A_132 : i32
      %parallel_loop3A_134 = arith.index_cast %parallel_loop3A_133 : i32 to index
      %parallel_loop3A_135 = tpu.vector_load %arg7[%parallel_loop3A_134] {strides = array<i32>} : memref<16384xf32, #tpu.memory_space<vmem>>, vector<16xf32>,
      %parallel_loop3A_136 = arith.addf %parallel_loop3A_135, %broadcast_in_dim3A_5 : vector<16xf32>
      %parallel_loop3A_137 = vector.bitcast %parallel_loop3A_129 : vector<16xf32> to vector<16xi32>
      %parallel_loop3A_138 = vector.bitcast %parallel_loop3A_136 : vector<16xf32> to vector<16xi32>
      %parallel_loop3A_139 = arith.muli %parallel_loop3A_137, %mul3A_49 : vector<16xi32>
      %parallel_loop3A_140 = arith.constant -1640531527 : i32
      %parallel_loop3A_141 = vector.broadcast %parallel_loop3A_140 : i32 to vector<16xi32>
      %parallel_loop3A_142 = arith.muli %parallel_loop3A_138, %parallel_loop3A_141 : vector<16xi32>
      %parallel_loop3A_143 = arith.xori %parallel_loop3A_139, %parallel_loop3A_142 : vector<16xi32>
      %parallel_loop3A_144 = arith.constant 21 : i32
      %parallel_loop3A_145 = vector.broadcast %parallel_loop3A_144 : i32 to vector<16xi32>
      %parallel_loop3A_146 = arith.shrui %parallel_loop3A_143, %parallel_loop3A_145 : vector<16xi32>
      %parallel_loop3A_147 = tpu.vector_load_idx %arg6[%parallel_loop3A_146] : memref<2048xi32, #tpu.memory_space<vmem>>[vector<16xi32>], vector<16xi32>,
      %parallel_loop3A_148 = arith.constant 32 : i32
      %parallel_loop3A_149 = arith.addi %parallel_loop3A_70, %parallel_loop3A_148 : i32
      %parallel_loop3A_150 = arith.index_cast %parallel_loop3A_149 : i32 to index
      %parallel_loop3A_151 = tpu.vector_load %arg8[%parallel_loop3A_150] {strides = array<i32>} : memref<8192xi32, #tpu.memory_space<vmem>>, vector<16xi32>,
      tpu.vector_store %arg8[%parallel_loop3A_150], %parallel_loop3A_147 {strides = array<i32>} : memref<8192xi32, #tpu.memory_space<vmem>>, vector<16xi32>,
      %parallel_loop3A_152 = arith.constant 48 : i32
      %parallel_loop3A_153 = arith.addi %parallel_loop3A_68, %parallel_loop3A_152 : i32
      %parallel_loop3A_154 = arith.index_cast %parallel_loop3A_153 : i32 to index
      %parallel_loop3A_155 = tpu.vector_load %arg7[%parallel_loop3A_154] {strides = array<i32>} : memref<16384xf32, #tpu.memory_space<vmem>>, vector<16xf32>,
      %parallel_loop3A_156 = arith.addf %parallel_loop3A_155, %broadcast_in_dim3A_5 : vector<16xf32>
      %parallel_loop3A_157 = arith.constant 128 : i32
      %parallel_loop3A_158 = arith.addi %parallel_loop3A_68, %parallel_loop3A_157 : i32
      %parallel_loop3A_159 = arith.constant 48 : i32
      %parallel_loop3A_160 = arith.addi %parallel_loop3A_158, %parallel_loop3A_159 : i32
      %parallel_loop3A_161 = arith.index_cast %parallel_loop3A_160 : i32 to index
      %parallel_loop3A_162 = tpu.vector_load %arg7[%parallel_loop3A_161] {strides = array<i32>} : memref<16384xf32, #tpu.memory_space<vmem>>, vector<16xf32>,
      %parallel_loop3A_163 = arith.addf %parallel_loop3A_162, %broadcast_in_dim3A_5 : vector<16xf32>
      %parallel_loop3A_164 = vector.bitcast %parallel_loop3A_156 : vector<16xf32> to vector<16xi32>
      %parallel_loop3A_165 = vector.bitcast %parallel_loop3A_163 : vector<16xf32> to vector<16xi32>
      %parallel_loop3A_166 = arith.muli %parallel_loop3A_164, %mul3A_49 : vector<16xi32>
      %parallel_loop3A_167 = arith.constant -1640531527 : i32
      %parallel_loop3A_168 = vector.broadcast %parallel_loop3A_167 : i32 to vector<16xi32>
      %parallel_loop3A_169 = arith.muli %parallel_loop3A_165, %parallel_loop3A_168 : vector<16xi32>
      %parallel_loop3A_170 = arith.xori %parallel_loop3A_166, %parallel_loop3A_169 : vector<16xi32>
      %parallel_loop3A_171 = arith.constant 21 : i32
      %parallel_loop3A_172 = vector.broadcast %parallel_loop3A_171 : i32 to vector<16xi32>
      %parallel_loop3A_173 = arith.shrui %parallel_loop3A_170, %parallel_loop3A_172 : vector<16xi32>
      %parallel_loop3A_174 = tpu.vector_load_idx %arg6[%parallel_loop3A_173] : memref<2048xi32, #tpu.memory_space<vmem>>[vector<16xi32>], vector<16xi32>,
      %parallel_loop3A_175 = arith.constant 48 : i32
      %parallel_loop3A_176 = arith.addi %parallel_loop3A_70, %parallel_loop3A_175 : i32
      %parallel_loop3A_177 = arith.index_cast %parallel_loop3A_176 : i32 to index
      %parallel_loop3A_178 = tpu.vector_load %arg8[%parallel_loop3A_177] {strides = array<i32>} : memref<8192xi32, #tpu.memory_space<vmem>>, vector<16xi32>,
      tpu.vector_store %arg8[%parallel_loop3A_177], %parallel_loop3A_174 {strides = array<i32>} : memref<8192xi32, #tpu.memory_space<vmem>>, vector<16xi32>,
      %parallel_loop3A_179 = arith.constant 64 : i32
      %parallel_loop3A_180 = arith.addi %parallel_loop3A_68, %parallel_loop3A_179 : i32
      %parallel_loop3A_181 = arith.index_cast %parallel_loop3A_180 : i32 to index
      %parallel_loop3A_182 = tpu.vector_load %arg7[%parallel_loop3A_181] {strides = array<i32>} : memref<16384xf32, #tpu.memory_space<vmem>>, vector<16xf32>,
      %parallel_loop3A_183 = arith.addf %parallel_loop3A_182, %broadcast_in_dim3A_5 : vector<16xf32>
      %parallel_loop3A_184 = arith.constant 128 : i32
      %parallel_loop3A_185 = arith.addi %parallel_loop3A_68, %parallel_loop3A_184 : i32
      %parallel_loop3A_186 = arith.constant 64 : i32
      %parallel_loop3A_187 = arith.addi %parallel_loop3A_185, %parallel_loop3A_186 : i32
      %parallel_loop3A_188 = arith.index_cast %parallel_loop3A_187 : i32 to index
      %parallel_loop3A_189 = tpu.vector_load %arg7[%parallel_loop3A_188] {strides = array<i32>} : memref<16384xf32, #tpu.memory_space<vmem>>, vector<16xf32>,
      %parallel_loop3A_190 = arith.addf %parallel_loop3A_189, %broadcast_in_dim3A_5 : vector<16xf32>
      %parallel_loop3A_191 = vector.bitcast %parallel_loop3A_183 : vector<16xf32> to vector<16xi32>
      %parallel_loop3A_192 = vector.bitcast %parallel_loop3A_190 : vector<16xf32> to vector<16xi32>
      %parallel_loop3A_193 = arith.muli %parallel_loop3A_191, %mul3A_49 : vector<16xi32>
      %parallel_loop3A_194 = arith.constant -1640531527 : i32
      %parallel_loop3A_195 = vector.broadcast %parallel_loop3A_194 : i32 to vector<16xi32>
      %parallel_loop3A_196 = arith.muli %parallel_loop3A_192, %parallel_loop3A_195 : vector<16xi32>
      %parallel_loop3A_197 = arith.xori %parallel_loop3A_193, %parallel_loop3A_196 : vector<16xi32>
      %parallel_loop3A_198 = arith.constant 21 : i32
      %parallel_loop3A_199 = vector.broadcast %parallel_loop3A_198 : i32 to vector<16xi32>
      %parallel_loop3A_200 = arith.shrui %parallel_loop3A_197, %parallel_loop3A_199 : vector<16xi32>
      %parallel_loop3A_201 = tpu.vector_load_idx %arg6[%parallel_loop3A_200] : memref<2048xi32, #tpu.memory_space<vmem>>[vector<16xi32>], vector<16xi32>,
      %parallel_loop3A_202 = arith.constant 64 : i32
      %parallel_loop3A_203 = arith.addi %parallel_loop3A_70, %parallel_loop3A_202 : i32
      %parallel_loop3A_204 = arith.index_cast %parallel_loop3A_203 : i32 to index
      %parallel_loop3A_205 = tpu.vector_load %arg8[%parallel_loop3A_204] {strides = array<i32>} : memref<8192xi32, #tpu.memory_space<vmem>>, vector<16xi32>,
      tpu.vector_store %arg8[%parallel_loop3A_204], %parallel_loop3A_201 {strides = array<i32>} : memref<8192xi32, #tpu.memory_space<vmem>>, vector<16xi32>,
      %parallel_loop3A_206 = arith.constant 80 : i32
      %parallel_loop3A_207 = arith.addi %parallel_loop3A_68, %parallel_loop3A_206 : i32
      %parallel_loop3A_208 = arith.index_cast %parallel_loop3A_207 : i32 to index
      %parallel_loop3A_209 = tpu.vector_load %arg7[%parallel_loop3A_208] {strides = array<i32>} : memref<16384xf32, #tpu.memory_space<vmem>>, vector<16xf32>,
      %parallel_loop3A_210 = arith.addf %parallel_loop3A_209, %broadcast_in_dim3A_5 : vector<16xf32>
      %parallel_loop3A_211 = arith.constant 128 : i32
      %parallel_loop3A_212 = arith.addi %parallel_loop3A_68, %parallel_loop3A_211 : i32
      %parallel_loop3A_213 = arith.constant 80 : i32
      %parallel_loop3A_214 = arith.addi %parallel_loop3A_212, %parallel_loop3A_213 : i32
      %parallel_loop3A_215 = arith.index_cast %parallel_loop3A_214 : i32 to index
      %parallel_loop3A_216 = tpu.vector_load %arg7[%parallel_loop3A_215] {strides = array<i32>} : memref<16384xf32, #tpu.memory_space<vmem>>, vector<16xf32>,
      %parallel_loop3A_217 = arith.addf %parallel_loop3A_216, %broadcast_in_dim3A_5 : vector<16xf32>
      %parallel_loop3A_218 = vector.bitcast %parallel_loop3A_210 : vector<16xf32> to vector<16xi32>
      %parallel_loop3A_219 = vector.bitcast %parallel_loop3A_217 : vector<16xf32> to vector<16xi32>
      %parallel_loop3A_220 = arith.muli %parallel_loop3A_218, %mul3A_49 : vector<16xi32>
      %parallel_loop3A_221 = arith.constant -1640531527 : i32
      %parallel_loop3A_222 = vector.broadcast %parallel_loop3A_221 : i32 to vector<16xi32>
      %parallel_loop3A_223 = arith.muli %parallel_loop3A_219, %parallel_loop3A_222 : vector<16xi32>
      %parallel_loop3A_224 = arith.xori %parallel_loop3A_220, %parallel_loop3A_223 : vector<16xi32>
      %parallel_loop3A_225 = arith.constant 21 : i32
      %parallel_loop3A_226 = vector.broadcast %parallel_loop3A_225 : i32 to vector<16xi32>
      %parallel_loop3A_227 = arith.shrui %parallel_loop3A_224, %parallel_loop3A_226 : vector<16xi32>
      %parallel_loop3A_228 = tpu.vector_load_idx %arg6[%parallel_loop3A_227] : memref<2048xi32, #tpu.memory_space<vmem>>[vector<16xi32>], vector<16xi32>,
      %parallel_loop3A_229 = arith.constant 80 : i32
      %parallel_loop3A_230 = arith.addi %parallel_loop3A_70, %parallel_loop3A_229 : i32
      %parallel_loop3A_231 = arith.index_cast %parallel_loop3A_230 : i32 to index
      %parallel_loop3A_232 = tpu.vector_load %arg8[%parallel_loop3A_231] {strides = array<i32>} : memref<8192xi32, #tpu.memory_space<vmem>>, vector<16xi32>,
      tpu.vector_store %arg8[%parallel_loop3A_231], %parallel_loop3A_228 {strides = array<i32>} : memref<8192xi32, #tpu.memory_space<vmem>>, vector<16xi32>,
      %parallel_loop3A_233 = arith.constant 96 : i32
      %parallel_loop3A_234 = arith.addi %parallel_loop3A_68, %parallel_loop3A_233 : i32
      %parallel_loop3A_235 = arith.index_cast %parallel_loop3A_234 : i32 to index
      %parallel_loop3A_236 = tpu.vector_load %arg7[%parallel_loop3A_235] {strides = array<i32>} : memref<16384xf32, #tpu.memory_space<vmem>>, vector<16xf32>,
      %parallel_loop3A_237 = arith.addf %parallel_loop3A_236, %broadcast_in_dim3A_5 : vector<16xf32>
      %parallel_loop3A_238 = arith.constant 128 : i32
      %parallel_loop3A_239 = arith.addi %parallel_loop3A_68, %parallel_loop3A_238 : i32
      %parallel_loop3A_240 = arith.constant 96 : i32
      %parallel_loop3A_241 = arith.addi %parallel_loop3A_239, %parallel_loop3A_240 : i32
      %parallel_loop3A_242 = arith.index_cast %parallel_loop3A_241 : i32 to index
      %parallel_loop3A_243 = tpu.vector_load %arg7[%parallel_loop3A_242] {strides = array<i32>} : memref<16384xf32, #tpu.memory_space<vmem>>, vector<16xf32>,
      %parallel_loop3A_244 = arith.addf %parallel_loop3A_243, %broadcast_in_dim3A_5 : vector<16xf32>
      %parallel_loop3A_245 = vector.bitcast %parallel_loop3A_237 : vector<16xf32> to vector<16xi32>
      %parallel_loop3A_246 = vector.bitcast %parallel_loop3A_244 : vector<16xf32> to vector<16xi32>
      %parallel_loop3A_247 = arith.muli %parallel_loop3A_245, %mul3A_49 : vector<16xi32>
      %parallel_loop3A_248 = arith.constant -1640531527 : i32
      %parallel_loop3A_249 = vector.broadcast %parallel_loop3A_248 : i32 to vector<16xi32>
      %parallel_loop3A_250 = arith.muli %parallel_loop3A_246, %parallel_loop3A_249 : vector<16xi32>
      %parallel_loop3A_251 = arith.xori %parallel_loop3A_247, %parallel_loop3A_250 : vector<16xi32>
      %parallel_loop3A_252 = arith.constant 21 : i32
      %parallel_loop3A_253 = vector.broadcast %parallel_loop3A_252 : i32 to vector<16xi32>
      %parallel_loop3A_254 = arith.shrui %parallel_loop3A_251, %parallel_loop3A_253 : vector<16xi32>
      %parallel_loop3A_255 = tpu.vector_load_idx %arg6[%parallel_loop3A_254] : memref<2048xi32, #tpu.memory_space<vmem>>[vector<16xi32>], vector<16xi32>,
      %parallel_loop3A_256 = arith.constant 96 : i32
      %parallel_loop3A_257 = arith.addi %parallel_loop3A_70, %parallel_loop3A_256 : i32
      %parallel_loop3A_258 = arith.index_cast %parallel_loop3A_257 : i32 to index
      %parallel_loop3A_259 = tpu.vector_load %arg8[%parallel_loop3A_258] {strides = array<i32>} : memref<8192xi32, #tpu.memory_space<vmem>>, vector<16xi32>,
      tpu.vector_store %arg8[%parallel_loop3A_258], %parallel_loop3A_255 {strides = array<i32>} : memref<8192xi32, #tpu.memory_space<vmem>>, vector<16xi32>,
      %parallel_loop3A_260 = arith.constant 112 : i32
      %parallel_loop3A_261 = arith.addi %parallel_loop3A_68, %parallel_loop3A_260 : i32
      %parallel_loop3A_262 = arith.index_cast %parallel_loop3A_261 : i32 to index
      %parallel_loop3A_263 = tpu.vector_load %arg7[%parallel_loop3A_262] {strides = array<i32>} : memref<16384xf32, #tpu.memory_space<vmem>>, vector<16xf32>,
      %parallel_loop3A_264 = arith.addf %parallel_loop3A_263, %broadcast_in_dim3A_5 : vector<16xf32>
      %parallel_loop3A_265 = arith.constant 128 : i32
      %parallel_loop3A_266 = arith.addi %parallel_loop3A_68, %parallel_loop3A_265 : i32
      %parallel_loop3A_267 = arith.constant 112 : i32
      %parallel_loop3A_268 = arith.addi %parallel_loop3A_266, %parallel_loop3A_267 : i32
      %parallel_loop3A_269 = arith.index_cast %parallel_loop3A_268 : i32 to index
      %parallel_loop3A_270 = tpu.vector_load %arg7[%parallel_loop3A_269] {strides = array<i32>} : memref<16384xf32, #tpu.memory_space<vmem>>, vector<16xf32>,
      %parallel_loop3A_271 = arith.addf %parallel_loop3A_270, %broadcast_in_dim3A_5 : vector<16xf32>
      %parallel_loop3A_272 = vector.bitcast %parallel_loop3A_264 : vector<16xf32> to vector<16xi32>
      %parallel_loop3A_273 = vector.bitcast %parallel_loop3A_271 : vector<16xf32> to vector<16xi32>
      %parallel_loop3A_274 = arith.muli %parallel_loop3A_272, %mul3A_49 : vector<16xi32>
      %parallel_loop3A_275 = arith.constant -1640531527 : i32
      %parallel_loop3A_276 = vector.broadcast %parallel_loop3A_275 : i32 to vector<16xi32>
      %parallel_loop3A_277 = arith.muli %parallel_loop3A_273, %parallel_loop3A_276 : vector<16xi32>
      %parallel_loop3A_278 = arith.xori %parallel_loop3A_274, %parallel_loop3A_277 : vector<16xi32>
      %parallel_loop3A_279 = arith.constant 21 : i32
      %parallel_loop3A_280 = vector.broadcast %parallel_loop3A_279 : i32 to vector<16xi32>
      %parallel_loop3A_281 = arith.shrui %parallel_loop3A_278, %parallel_loop3A_280 : vector<16xi32>
      %parallel_loop3A_282 = tpu.vector_load_idx %arg6[%parallel_loop3A_281] : memref<2048xi32, #tpu.memory_space<vmem>>[vector<16xi32>], vector<16xi32>,
      %parallel_loop3A_283 = arith.constant 112 : i32
      %parallel_loop3A_284 = arith.addi %parallel_loop3A_70, %parallel_loop3A_283 : i32
      %parallel_loop3A_285 = arith.index_cast %parallel_loop3A_284 : i32 to index
      %parallel_loop3A_286 = tpu.vector_load %arg8[%parallel_loop3A_285] {strides = array<i32>} : memref<8192xi32, #tpu.memory_space<vmem>>, vector<16xi32>,
      tpu.vector_store %arg8[%parallel_loop3A_285], %parallel_loop3A_282 {strides = array<i32>} : memref<8192xi32, #tpu.memory_space<vmem>>, vector<16xi32>,
    } {sc.loop_unroll_factor = 2 : i64, sc.parallel_access}
    "tpu.region"() ({
      %run_scoped3A = tpu.sem_alloc : memref<!tpu.dma_semaphore, #tpu.memory_space<semaphore_mem>>
      %dma_start3A = tpu.memref_slice %arg4[%mul3A_2] : memref<262144xi32, #tpu.memory_space<hbm>> -> memref<8192xi32, #tpu.memory_space<hbm>>
      %dma_start3A_66 = tpu.memref_slice %arg4[%mul3A_2] : memref<262144xi32, #tpu.memory_space<hbm>> -> memref<8192xi32, #tpu.memory_space<hbm>>
      tpu.enqueue_dma source(%arg8 : memref<8192xi32, #tpu.memory_space<vmem>>) target(%dma_start3A_66 : memref<8192xi32, #tpu.memory_space<hbm>>) target_semaphore(%run_scoped3A : memref<!tpu.dma_semaphore, #tpu.memory_space<semaphore_mem>>)
      %dma_wait3A = tpu.memref_slice %arg4[%mul3A_2] : memref<262144xi32, #tpu.memory_space<hbm>> -> memref<8192xi32, #tpu.memory_space<hbm>>
      %dma_wait3A_67 = tpu.memref_slice %arg4[%mul3A_2] : memref<262144xi32, #tpu.memory_space<hbm>> -> memref<8192xi32, #tpu.memory_space<hbm>>
      tpu.wait_dma2 semaphore(%run_scoped3A : memref<!tpu.dma_semaphore, #tpu.memory_space<semaphore_mem>>) src(%arg8 : memref<8192xi32, #tpu.memory_space<vmem>>) dst(%dma_wait3A_67 : memref<8192xi32, #tpu.memory_space<hbm>>)
      tpu.yield
    }) : () -> ()
    return
  }
}

</mosaic_0001>

<sc_bundles>
// kernel: kernel.3.cloned.1.call-start
scs
__scs_entry_jumppad:
0x0: {  	(pc) =	sbr.rel $0x88, $3  }
0x1: {  	(tag) =	ssettag $0x0;
	lr =	simm.s32 $0x1  }
0x2: {  	[smem:$0x3F9E] =	sst lr;
	_ =	strace $0xD0000000  }
0x3: {  	_ = 	snop  }
0x4: {  	_ = 	snop  }
0x5: {  	_ = 	snop  }
0x6: {  	_ = 	snop  }
0x7: {  	_ = 	snop  }
__scs_overlays_trampoline_lowered:
0x8: {  	[smem:$0x3FAD] =	sst s0  }
0x9: {  	[smem:$0x3FAE] =	sst s1  }
0xa: {  	[smem:$0x3FAF] =	sst s2  }
0xb: {  	[smem:$0x3FB0] =	sst s3  }
0xc: {  	[smem:$0x3FB1] =	sst s4  }
0xd: {  	[smem:$0x3FB2] =	sst s5  }
0xe: {  	[smem:$0x3FB3] =	sst s6  }
0xf: {  	[smem:$0x3FB4] =	sst s7  }
0x10: {  	[smem:$0x3FB5] =	sst s8  }
0x11: {  	[smem:$0x3FB6] =	sst s9;
	s0 =	simm.s32 @!p0 $0x0  }
0x12: {  	s1 =	sld [smem:$0x3F9C];
	s0 =	simm.s32 @p0 $0x1  }
0x13: {  	[smem:$0x3FB7] =	sst s0;
	s0 =	simm.s32 @!p1 $0x0  }
0x14: {  	s2 =	sld [smem:$0x3F9B];
	s0 =	simm.s32 @p1 $0x1  }
0x15: {  	[smem:$0x3FB8] =	sst s0;
	s0 =	simm.s32 @!p2 $0x0  }
0x16: {  	s3 =	sld [smem:$0x3FDB];
	s0 =	simm.s32 @p2 $0x1  }
0x17: {  	s4 =	simm.s32 $0x1BF5;
	[smem:$0x3FBA] =	sst s0  }
0x18: {  	s0 =	sld [smem:$0x3F9D];
	_ =	swait.ge [sflag:s4], $0x0  }
0x19: {  	s7 =	sld [smem:$0x3F9E]  }
0x1a: {  	s8 =	sadd.s32 $0xFFFFE003, lr  }
0x1b: {  	s9 =	sadd.s32 $0xFFFFFEF7, lr;
	s5 =	simm.s32 $0xFFFFFFFF;
	p2 =	slt.u32 s8, $0xFFFFF086  }
0x1c: {  	p1 =	slt.u32 s9, $0xF7A;
	s5 =	simm.s32 @!p2 $0x0  }
0x1d: {  	s5 =	simm.s32 @p1 $0x1;
	p0 =	seq.s32 s7, s2  }
0x1e: {  	s7 =	smul.u32 @!p0 $0xF7A, s2;
	p2 =	seq.s32 @!p0 s5, $0x0  }
0x1f: {  	s9 =	smul.u32 $0xF7A, s1;
	s8 =	simm.s32 @!p0 $0x1BF5;
	p2 =	por !p2, p0  }
0x20: {  	[sflag:s8] =	ssyncset.s32 @!p0 $0xFFFFF086;
	s6 =	sadd.s32 @!p0 s3, s7;
	s7 =	simm.s32 @!p0 $0x108  }
0x21: {  	s3 =	sadd.s32 s3, s9;
	s6 =	sadd.s32 @!p0 $0x88, s6;
	s7 =	simm.s32 @p2 $0x1082  }
0x22: {  	[simem:s7], [sflag:s8] =	dma.local @!p0 [hbm:s6], $0xF7A  }
0x23: {  	s9 =	sor.u32 $0xD0000000, s2;
	s6 =	simm.s32 $0x108;
	_ =	swait.ge @!p0 [sflag:s8], $0x0  }
0x24: {  	s3 =	sadd.s32 $0x88, s3;
	s6 =	simm.s32 @!p1 $0x1082;
	[sflag:s4] =	ssyncset.s32 $0xFFFFF086  }
0x25: {  	[simem:s6], [sflag:s4] =	dma.local [hbm:s3], $0xF7A  }
0x26: {  	[smem:$0x3F9E] =	sst s1;
	(tag) =	ssettag s2;
	_ =	strace s9  }
0x27: {  	s1 =	sld [smem:$0x3FAE]  }
0x28: {  	s2 =	sld [smem:$0x3FAF]  }
0x29: {  	s4 =	sld [smem:$0x3FB1]  }
0x2a: {  	p0 =	seq.s32 s5, $0x0;
	s5 =	sld [smem:$0x3FB2]  }
0x2b: {  	s6 =	sld [smem:$0x3FB3]  }
0x2c: {  	s7 =	sld [smem:$0x3FB4]  }
0x2d: {  	s3 =	simm.s32 $0x108;
	s8 =	sld [smem:$0x3FB5]  }
0x2e: {  	s3 =	simm.s32 @!p0 $0x1082;
	s9 =	sld [smem:$0x3FB6]  }
0x2f: {  	lr =	sadd.s32 s0, s3;
	s0 =	sld [smem:$0x3FAD]  }
0x30: {  	s3 =	sld [smem:$0x3FB0]  }
0x31: {  	[smem:$0x3FB9] =	sst s10  }
0x32: {  	s10 =	sld [smem:$0x3FB7];
	_ =	sdelay $0x3  }
0x33: {  	p0 =	seq.s32 s10, $0x1;
	s10 =	sld [smem:$0x3FB9];
	_ =	sdelay $0x3  }
0x34: {  	[smem:$0x3FB9] =	sst s10  }
0x35: {  	s10 =	sld [smem:$0x3FB8];
	_ =	sdelay $0x3  }
0x36: {  	p1 =	seq.s32 s10, $0x1;
	s10 =	sld [smem:$0x3FB9];
	_ =	sdelay $0x3  }
0x37: {  	[smem:$0x3FB9] =	sst s10  }
0x38: {  	s10 =	sld [smem:$0x3FBA]  }
0x39: {  	_ = 	snop;
	(pc) =	sbr.ind lr, $3  }
0x3a: {  	_ = 	snop  }
0x3b: {  	_ = 	snop  }
0x3c: {  	p2 =	seq.s32 s10, $0x1;
	s10 =	sld [smem:$0x3FB9]  }
0x3d: {  	_ =	shalt  }
0x3e: {  	_ =	shalt  }
0x3f: {  	_ =	shalt  }
0x40: {  	_ =	shalt  }
0x41: {  	_ =	shalt  }
0x42: {  	_ =	shalt  }
0x43: {  	_ =	shalt  }
0x44: {  	_ =	shalt  }
0x45: {  	_ =	shalt  }
0x46: {  	_ =	shalt  }
0x47: {  	_ =	shalt  }
0x48: {  	_ =	shalt  }
0x49: {  	_ =	shalt  }
0x4a: {  	_ =	shalt  }
0x4b: {  	_ =	shalt  }
0x4c: {  	_ =	shalt  }
0x4d: {  	_ =	shalt  }
0x4e: {  	_ =	shalt  }
0x4f: {  	_ =	shalt  }
0x50: {  	_ =	shalt  }
0x51: {  	_ =	shalt  }
0x52: {  	_ =	shalt  }
0x53: {  	_ =	shalt  }
0x54: {  	_ =	shalt  }
0x55: {  	_ =	shalt  }
0x56: {  	_ =	shalt  }
0x57: {  	_ =	shalt  }
0x58: {  	_ =	shalt  }
0x59: {  	_ =	shalt  }
0x5a: {  	_ =	shalt  }
0x5b: {  	_ =	shalt  }
0x5c: {  	_ =	shalt  }
0x5d: {  	_ =	shalt  }
0x5e: {  	_ =	shalt  }
0x5f: {  	_ =	shalt  }
0x60: {  	_ =	shalt  }
0x61: {  	_ =	shalt  }
0x62: {  	_ =	shalt  }
0x63: {  	_ =	shalt  }
0x64: {  	_ =	shalt  }
0x65: {  	_ =	shalt  }
0x66: {  	_ =	shalt  }
0x67: {  	_ =	shalt  }
0x68: {  	_ =	shalt  }
0x69: {  	_ =	shalt  }
0x6a: {  	_ =	shalt  }
0x6b: {  	_ =	shalt  }
0x6c: {  	_ =	shalt  }
0x6d: {  	_ =	shalt  }
0x6e: {  	_ =	shalt  }
0x6f: {  	_ =	shalt  }
0x70: {  	_ =	shalt  }
0x71: {  	_ =	shalt  }
0x72: {  	_ =	shalt  }
0x73: {  	_ =	shalt  }
0x74: {  	_ =	shalt  }
0x75: {  	_ =	shalt  }
0x76: {  	_ =	shalt  }
0x77: {  	_ =	shalt  }
0x78: {  	_ =	shalt  }
0x79: {  	_ =	shalt  }
0x7a: {  	_ =	shalt  }
0x7b: {  	_ =	shalt  }
0x7c: {  	_ =	shalt  }
0x7d: {  	_ =	shalt  }
0x7e: {  	_ =	shalt  }
0x7f: {  	_ =	shalt  }
0x80: {  	_ =	shalt  }
0x81: {  	_ =	shalt  }
0x82: {  	_ =	shalt  }
0x83: {  	_ =	shalt  }
0x84: {  	_ =	shalt  }
0x85: {  	_ =	shalt  }
0x86: {  	_ =	shalt  }
0x87: {  	_ =	shalt  }
.Lfunc_end0:
.L_simem_size_0:
called_computation_lowered:
.L_overlay_start_0:
0x88: {  	s2 =	sld [smem:$0x3FD9]  }
0x89: {  	s3 =	sld [smem:$0x3FFE];
	_ =	sdelay $0x1  }
0x8a: {  	s1 =	srdreg.scid  }
0x8b: {  	s0 =	sand.u32 $0x1, s1  }
0x8c: {  	s17 =	sshll.u32 s0, $0xA;
	s2 =	sadd.s32 s3, s2  }
0x8d: {  	s2 =	sadd.s32 s2, s17  }
0x8e: {  	[smem:$0x3FC5] =	sst s2  }
0x8f: {  	_ = 	snop  }
0x90: {  	s2 =	sld [smem:$0x3FC9]  }
0x91: {  	s18 =	sld [smem:$0x3FD0];
	(tm) =	ssettm $0x1  }
0x92: {  	s4 =	sld [smem:$0x3FFB];
	_ =	sdelay $0x3  }
0x93: {  	_ =	strace s4  }
0x94: {  	s4 =	sld [smem:$0x3FFC];
	_ =	sdelay $0x3  }
0x95: {  	_ =	strace s4  }
0x96: {  	s4 =	sld [smem:$0x3FFD];
	_ =	sdelay $0x3  }
0x97: {  	_ =	strace s4  }
0x98: {  	_ =	strace $0x8FFFFFFF  }
0x99: {  	s19 =	sld [smem:$0x3FDB];
	_ =	sdelay $0x1  }
0x9a: {  	s5 =	simm.s32 $_scs_section_size  }
0x9b: {  	s6 =	simm.s32 $_size__tile_overlayer_lowered;
	s7 =	simm.s32 $_tile_overlayer_lowered  }
0x9c: {  	s22 =	simm.s32 $0x1BFF;
	s21 =	sshll.u32 s7, $0x1;
	s4 =	sadd.s32 s5, s19  }
0x9d: {  	s8 =	simm.s32 $0x0;
	s20 =	sshll.u32 s6, $0x1;
	s6 =	sadd.s32 s21, s4  }
0x9e: {  	[timem:s8], [sflag:s22] =	dma.local [hbm:s6], s20  }
0x9f: {  	_ =	swait.ge [sflag:s22], s20  }
0xa0: {  	s5 =	ssub.s32 $0x0, s20;
	[sflag:s22] =	ssyncset.done $0x0  }
0xa1: {  	[sflag:s22] =	ssyncadd.s32 s5;
	_ =	sdelay $0x1  }
0xa2: {  	s23 =	simm.s32 $0x1B8B  }
0xa3: {  	_ =	swait.ge [sflag:s23], $0x1  }
0xa4: {  	[sflag:s23] =	ssyncset.done $0x0  }
0xa5: {  	s25 =	simm.s32 $0x1B8E;
	s24 =	sld [smem:$0x3FFE];
	[sflag:s23] =	ssyncadd.s32 $0xFFFFFFFF  }
0xa6: {  	s26 =	simm.s32 $execute0_lowered;
	[smem:$0x3FD2] =	sst s25  }
0xa7: {  	s6 =	sshll.u32 s26, $0x1;
	_ =	strace $0x80000046;
	[dreg:$0x1] =	wrdreg $0xFFFFFFFF  }
0xa8: {  	s28 =	simm.s32 $_size_execute0_lowered;
	s4 =	sadd.s32 s4, s6;
	[dreg:$0x0] =	wrdreg $0x0  }
0xa9: {  	s6 =	sshll.u32 s28, $0x1;
	[dreg:$0x2] =	wrdreg s4  }
0xaa: {  	[dreg:$0x3] =	wrdreg s6  }
0xab: {  	[dreg:$0x4] =	wrdreg $0xC0  }
0xac: {  	_ =	task [dreg:s8], $0x5FFFF  }
0xad: {  	[dreg:$0x1] =	wrdreg $0xFFFFFFFF  }
0xae: {  	[dreg:$0x0] =	wrdreg $0x60  }
0xaf: {  	[dreg:$0x2] =	wrdreg s24  }
0xb0: {  	[dreg:$0x3] =	wrdreg s2  }
0xb1: {  	[dreg:$0x4] =	wrdreg s18  }
0xb2: {  	[dreg:$0x5] =	wrdreg $0x9  }
0xb3: {  	_ =	task.clear_ibuf [dreg:s8], $0x6FFFF;
	_ =	strace $0x90000046  }
0xb4: {  	s29 =	simm.s32 $0x9;
	_ =	strace $0x80000048  }
0xb5: {  	_ =	swait.ge [sflag:s29], $0x1  }
0xb6: {  	[sflag:s29] =	ssyncadd.s32 $0xFFFFFFFF  }
0xb7: {  	_ =	strace $0x90000048  }
0xb8: {  	_ =	sfence  }
0xb9: {  	s30 =	sld [smem:$0x0];
	_ =	sdelay $0x2  }
0xba: {  	s31 =	sshll.u32 s1, $0xD;
	s1 =	sshrl.u32 s1, $0x2  }
0xbb: {  	s3 =	sand.u32 $0x4000, s31;
	s1 =	sadd.s32 s1, s30  }
0xbc: {  	s0 =	sor.u32 s3, s0;
	s1 =	sshll.u32 s1, $0x11  }
0xbd: {  	s0 =	sor.u32 s1, s0  }
0xbe: {  	s0 =	sadd.s32 $0x8F2B, s0  }
0xbf: {  	[sflag:s0] =	ssyncadd.remote.s32 $0x1  }
0xc0: {  	_ =	sfence.sel $0xFFFF  }
0xc1: {  	[dreg:$0x0] =	wrdreg $0xFFFFFFFF;
	(pc) =	sbr.abs _section_cstart, $3  }
0xc2: {  	[dreg:$0x1] =	wrdreg $0xFFFFFFFF  }
0xc3: {  	_ =	task.clear_ibuf [dreg:s8], $0x2FFFF;
	_ =	strace $0x9FFFFFFF  }
0xc4: {  	(tm) =	ssettm $0x7FFFFFFF  }
0xc5: {  	_ =	shalt  }
tec
execute0_lowered:
.L_overlay_start_1:
0x0: {  	(tag) =	ssettag $0x1  }
0x1: {  	s3 =	rddreg [dreg:$0x0]  }
0x2: {  	s4 =	rddreg [dreg:$0x1]  }
0x3: {  	s5 =	rddreg [dreg:$0x2]  }
0x4: {  	s0 =	rddreg [dreg:$0x3];
	s2 =	simm.s32 $0x0  }
0x5: {  	s6 =	srdreg.scid;
	s1 =	stileid.u32;
	s10 =	simm.s32 $0x4A00  }
0x6: {  	s11 =	simm.s32 $0x0;
	[smem:$0x7FF] =	sst s2;
	s6 =	sand.u32 $0x1, s6  }
0x7: {  	s7 =	sshll.u32 s1, $0x1;
	s3 =	sadd.s32 $0x600, s3;
	s8 =	ssub.s32 $0x2, s6  }
0x8: {  	_ =	strace $0x80000047;
	s6 =	sor.u32 s6, s7;
	s31 =	sshrl.u32 s8, $0x1  }
0x9: {  	s9 =	sshll.u32 s6, $0xB;
	s6 =	sshll.u32 s6, $0xA;
	s7 =	ssub.s32 s8, s31  }
0xa: {  	v0 =	vlaneseq.u32;
	s4 =	sadd.s32 s4, s9;
	s5 =	sadd.s32 s5, s6;
	s8 =	simm.s32 $0xA00  }
0xb: {  	vm0 =	vcmask $0x3F2C;
	v2 =	vimm.f32 $0.0e+00;
	v1 =	vor.u32 $0x10, v0;
	s9 =	simm.s32 $0x200;
	s6 =	smax.u32 s7, $0x1;
	s7 =	simm.s32 $0x1  }
.LBB2_1:
0xc: {  	[tilespmem:s2], [sflag:$0x1] =	stream.linear.gather [hbm4b:s3+s2], $0x180, $0x38;
	[tilespmem:$0x6A00] =	vst v63  }
0xd: {  	_ =	swait.ge [sflag:s7], $0x180  }
0xe: {  	[sflag:s7] =	ssyncset.done $0x0  }
0xf: {  	[sflag:s7] =	ssyncadd.s32 $0xFFFFFE80  }
0x10: {  	[tilespmem:s8], [sflag:$0x1] =	stream.linear.gather [hbm4b:s4+s2], $0x4000, $0x38;
	[tilespmem:$0x6A00] =	vst v63  }
0x11: {  	_ =	swait.ge [sflag:s7], $0x4000  }
0x12: {  	[sflag:s7] =	ssyncset.done $0x0  }
0x13: {  	[sflag:s7] =	ssyncadd.s32 $0xFFFFC000  }
0x14: {  	v3 =	vld [tilespmem:$0x80]  }
0x15: {  	v4 =	vld [tilespmem:$0x90]  }
0x16: {  	v5 =	vld [tilespmem:$0x0]  }
0x17: {  	v7 =	vld [tilespmem:$0x10];
	_ =	sdelay $0x2  }
0x18: {  	v3 =	vadd.f32 $0.0e+00, v3;
	v9 =	vadd.f32 $0.0e+00, v4  }
0x19: {  	v6 =	vadd.f32 $0.0e+00, v5;
	v4 =	vld [tilespmem:$0x100]  }
0x1a: {  	s12 =	simm.s32 $0xFFFFFFFF;
	v7 =	vadd.f32 $0.0e+00, v7;
	v5 =	vld [tilespmem:$0x110];
	v8 =	vmul.u32 $0x9E3779B9, v3;
	v9 =	vmul.u32 $0x9E3779B9, v9  }
.LBB2_2:
0x1b: {  	s12 =	sadd.s32 $0x2, s12  }
0x1c: {  	v3 =	vmov s12  }
0x1d: {  	v3 =	vmul.u32 $0x9E3779B1, v3;
	_ =	sdelay $0x1  }
0x1e: {  	v3 =	vbroadcast v3, $0x0;
	_ =	sdelay $0x1  }
0x1f: {  	v10 =	vmul.u32 v6, v3  }
0x20: {  	v11 =	vmul.u32 v7, v3  }
0x21: {  	v10 =	vxor.u32 v8, v10  }
0x22: {  	v11 =	vxor.u32 v9, v11;
	v10 =	vshrl.u32 v10, $0x15  }
0x23: {  	v11 =	vshrl.u32 v11, $0x15;
	_ =	sdelay $0x3  }
0x24: {  	[tilespmem:v10+s9+$0x0] =	vst.idx.msk $0xffff, v0  }
0x25: {  	[tilespmem:v11+s9+$0x0] =	vst.idx.msk $0x7ff, v1  }
0x26: {  	v12 =	vld.idx.msk [tilespmem:v11+s9+$0x0], $0xffff  }
0x27: {  	v13 =	vld.idx.msk [tilespmem:v10+s9+$0x0], $0xffff;
	_ =	sdelay $0x3  }
0x28: {  	vm1 =	veq.s32 v12, v1  }
0x29: {  	vm2 =	veq.s32 v13, v0;
	vm1 =	vmor vm1, vm0  }
0x2a: {  	vm1 =	vmand vm2, vm1  }
0x2b: {  	v63 =	vsel vm1, $0x3F800000, v2  }
0x2c: {  	(xrf0) =	vmin.scan.msk.f32 $0xffff, v63;
	_ =	sdelay $0x5  }
0x2d: {  	v12, _, _ =	vpop (xrf0)  }
0x2e: {  	(v2sf) =	vpush v12, $0xF;
	_ =	sdelay $0xe  }
0x2f: {  	s13 =	spop (v2sf)  }
0x30: {  	p0 =	sgt.f32 s13, $0.0e+00  }
.Ltmp0:
0x31: {  	_ = 	snop;
	(pc) =	sbr.rel @!p0 .LBB2_2-.Ltmp0, $1  }
0x32: {  	_ =	sdelay $0x3  }
0x33: {  	_ = 	snop  }
0x34: {  	v4 =	vtrunc.f32 v4  }
0x35: {  	v5 =	vtrunc.f32 v5;
	v4 =	vcvt.f32.s32 v4  }
0x36: {  	v5 =	vcvt.f32.s32 v5  }
0x37: {  	[tilespmem:v10+s9+$0x0] =	vst.idx.msk $0xffff, v4  }
0x38: {  	s23 =	simm.s32 $0xB00;
	[tilespmem:v11+s9+$0x0] =	vst.idx.msk $0x7ff, v5  }
0x39: {  	v4 =	vld [tilespmem:s23+$0x0]  }
0x3a: {  	v5 =	vld [tilespmem:s23+$0x80];
	_ =	sdelay $0x4  }
0x3b: {  	v4 =	vadd.f32 $0.0e+00, v4;
	v5 =	vadd.f32 $0.0e+00, v5;
	_ =	sdelay $0x1  }
0x3c: {  	v4 =	vmul.u32 v4, v3;
	v5 =	vmul.u32 $0x9E3779B9, v5;
	_ =	sdelay $0x1  }
0x3d: {  	v4 =	vxor.u32 v4, v5  }
0x3e: {  	v4 =	vshrl.u32 v4, $0x15;
	_ =	sdelay $0x4  }
0x3f: {  	v4 =	vld.idx.msk [tilespmem:v4+s9+$0x0], $0xffff;
	_ =	sdelay $0x3  }
0x40: {  	s12 =	simm.s32 $0x4A80  }
0x41: {  	[tilespmem:s12+$0x0] =	vst v4  }
0x42: {  	v4 =	vld [tilespmem:s23+$0x10]  }
0x43: {  	v5 =	vld [tilespmem:s23+$0x90];
	_ =	sdelay $0x2  }
0x44: {  	v6 =	vld [tilespmem:s23+$0xFFFFFF80]  }
0x45: {  	v7 =	vld [tilespmem:s23+$0xFFFFFF00]  }
0x46: {  	v4 =	vadd.f32 $0.0e+00, v4;
	v5 =	vadd.f32 $0.0e+00, v5;
	_ =	sdelay $0x1  }
0x47: {  	v4 =	vmul.u32 v4, v3;
	v5 =	vmul.u32 $0x9E3779B9, v5;
	_ =	sdelay $0x1  }
0x48: {  	v6 =	vadd.f32 $0.0e+00, v6;
	v7 =	vadd.f32 $0.0e+00, v7;
	v4 =	vxor.u32 v4, v5  }
0x49: {  	v4 =	vshrl.u32 v4, $0x15  }
0x4a: {  	s15 =	simm.s32 $0xD00;
	v5 =	vmul.u32 $0x9E3779B9, v6;
	v6 =	vmul.u32 v7, v3  }
0x4b: {  	v7 =	vld [tilespmem:s15+$0x80]  }
0x4c: {  	v5 =	vxor.u32 v6, v5;
	v6 =	vld [tilespmem:s15+$0x0]  }
0x4d: {  	v5 =	vshrl.u32 v5, $0x15  }
0x4e: {  	v4 =	vld.idx.msk [tilespmem:v4+s9+$0x0], $0xffff;
	_ =	sdelay $0x2  }
0x4f: {  	v7 =	vadd.f32 $0.0e+00, v7;
	v6 =	vadd.f32 $0.0e+00, v6  }
0x50: {  	v5 =	vld.idx.msk [tilespmem:v5+s9+$0x0], $0xffff  }
0x51: {  	[tilespmem:s12+$0x10] =	vst v4;
	v4 =	vmul.u32 v6, v3;
	v6 =	vmul.u32 $0x9E3779B9, v7  }
0x52: {  	v7 =	vld [tilespmem:s23+$0x20]  }
0x53: {  	v8 =	vld [tilespmem:s23+$0xA0];
	v4 =	vxor.u32 v4, v6  }
0x54: {  	v4 =	vshrl.u32 v4, $0x15  }
0x55: {  	v9 =	vld [tilespmem:s15+$0xFFFFFF80];
	[tilespmem:s12+$0xFFFFFF80] =	vst v5  }
0x56: {  	v5 =	vld [tilespmem:s23+$0xFFFFFF10]  }
0x57: {  	v6 =	vld [tilespmem:s23+$0xFFFFFF90]  }
0x58: {  	v10 =	vld [tilespmem:s15+$0xFFFFFF00];
	v7 =	vadd.f32 $0.0e+00, v7;
	v8 =	vadd.f32 $0.0e+00, v8  }
0x59: {  	v4 =	vld.idx.msk [tilespmem:v4+s9+$0x0], $0xffff  }
0x5a: {  	v7 =	vmul.u32 v7, v3;
	v8 =	vmul.u32 $0x9E3779B9, v8;
	_ =	sdelay $0x1  }
0x5b: {  	v5 =	vadd.f32 $0.0e+00, v5;
	v6 =	vadd.f32 $0.0e+00, v6;
	v7 =	vxor.u32 v7, v8  }
0x5c: {  	s13 =	simm.s32 $0x4B80;
	v8 =	vadd.f32 $0.0e+00, v9;
	v9 =	vadd.f32 $0.0e+00, v10;
	v7 =	vshrl.u32 v7, $0x15  }
0x5d: {  	v5 =	vmul.u32 v5, v3;
	v6 =	vmul.u32 $0x9E3779B9, v6;
	[tilespmem:s13+$0x0] =	vst v4  }
0x5e: {  	v4 =	vmul.u32 $0x9E3779B9, v8;
	v8 =	vmul.u32 v9, v3;
	v9 =	vld [tilespmem:s15+$0x10]  }
0x5f: {  	v5 =	vxor.u32 v5, v6;
	v6 =	vld [tilespmem:s15+$0x90]  }
0x60: {  	v5 =	vshrl.u32 v5, $0x15;
	v4 =	vxor.u32 v8, v4  }
0x61: {  	v4 =	vshrl.u32 v4, $0x15;
	v7 =	vld.idx.msk [tilespmem:v7+s9+$0x0], $0xffff;
	_ =	sdelay $0x2  }
0x62: {  	v8 =	vadd.f32 $0.0e+00, v9;
	v6 =	vadd.f32 $0.0e+00, v6  }
0x63: {  	v5 =	vld.idx.msk [tilespmem:v5+s9+$0x0], $0xffff  }
0x64: {  	v4 =	vld.idx.msk [tilespmem:v4+s9+$0x0], $0xffff;
	[tilespmem:s12+$0x20] =	vst v7;
	v7 =	vmul.u32 v8, v3;
	v6 =	vmul.u32 $0x9E3779B9, v6  }
0x65: {  	v8 =	vld [tilespmem:s23+$0x30]  }
0x66: {  	v9 =	vld [tilespmem:s23+$0xB0];
	v6 =	vxor.u32 v7, v6  }
0x67: {  	v6 =	vshrl.u32 v6, $0x15  }
0x68: {  	[tilespmem:s12+$0xFFFFFF90] =	vst v5  }
0x69: {  	v5 =	vld [tilespmem:s23+$0xFFFFFF20]  }
0x6a: {  	v7 =	vld [tilespmem:s23+$0xFFFFFFA0];
	[tilespmem:s13+$0xFFFFFF80] =	vst v4  }
0x6b: {  	v4 =	vld [tilespmem:s15+$0xFFFFFF10];
	v8 =	vadd.f32 $0.0e+00, v8;
	v9 =	vadd.f32 $0.0e+00, v9  }
0x6c: {  	v6 =	vld.idx.msk [tilespmem:v6+s9+$0x0], $0xffff  }
0x6d: {  	v10 =	vld [tilespmem:s15+$0xFFFFFF90];
	v8 =	vmul.u32 v8, v3;
	v9 =	vmul.u32 $0x9E3779B9, v9;
	_ =	sdelay $0x1  }
0x6e: {  	s16 =	simm.s32 $0xF00;
	v5 =	vadd.f32 $0.0e+00, v5;
	v8 =	vxor.u32 v8, v9  }
0x6f: {  	v11 =	vld [tilespmem:s16+$0x80];
	v7 =	vadd.f32 $0.0e+00, v7;
	v8 =	vshrl.u32 v8, $0x15  }
0x70: {  	v9 =	vld [tilespmem:s16+$0x0];
	v5 =	vmul.u32 v5, v3;
	[tilespmem:s13+$0x10] =	vst v6  }
0x71: {  	v4 =	vadd.f32 $0.0e+00, v4;
	v6 =	vmul.u32 $0x9E3779B9, v7;
	v7 =	vadd.f32 $0.0e+00, v10;
	v10 =	vld [tilespmem:s15+$0x20]  }
0x72: {  	v12 =	vld [tilespmem:s15+$0xA0]  }
0x73: {  	v4 =	vmul.u32 v4, v3;
	v5 =	vxor.u32 v5, v6;
	v6 =	vmul.u32 $0x9E3779B9, v7  }
0x74: {  	v5 =	vshrl.u32 v5, $0x15;
	v7 =	vld.idx.msk [tilespmem:v8+s9+$0x0], $0xffff;
	v8 =	vadd.f32 $0.0e+00, v11  }
0x75: {  	v4 =	vxor.u32 v4, v6;
	v6 =	vadd.f32 $0.0e+00, v9  }
0x76: {  	v4 =	vshrl.u32 v4, $0x15;
	v8 =	vmul.u32 $0x9E3779B9, v8  }
0x77: {  	v9 =	vadd.f32 $0.0e+00, v10;
	v10 =	vadd.f32 $0.0e+00, v12;
	v6 =	vmul.u32 v6, v3;
	_ =	sdelay $0x1  }
0x78: {  	v5 =	vld.idx.msk [tilespmem:v5+s9+$0x0], $0xffff;
	[tilespmem:s12+$0x30] =	vst v7;
	v7 =	vmul.u32 v9, v3;
	v9 =	vmul.u32 $0x9E3779B9, v10;
	v6 =	vxor.u32 v6, v8  }
0x79: {  	v8 =	vld [tilespmem:s23+$0x40];
	v6 =	vshrl.u32 v6, $0x15  }
0x7a: {  	v10 =	vld [tilespmem:s23+$0xC0];
	v7 =	vxor.u32 v7, v9  }
0x7b: {  	v4 =	vld.idx.msk [tilespmem:v4+s9+$0x0], $0xffff;
	v7 =	vshrl.u32 v7, $0x15  }
0x7c: {  	v11 =	vld [tilespmem:s16+$0xFFFFFF00]  }
0x7d: {  	v9 =	vld [tilespmem:s16+$0xFFFFFF80]  }
0x7e: {  	[tilespmem:s12+$0xFFFFFFA0] =	vst v5;
	v5 =	vld.idx.msk [tilespmem:v6+s9+$0x0], $0xffff  }
0x7f: {  	v8 =	vadd.f32 $0.0e+00, v8;
	v10 =	vadd.f32 $0.0e+00, v10  }
0x80: {  	[tilespmem:s13+$0xFFFFFF90] =	vst v4;
	v4 =	vld.idx.msk [tilespmem:v7+s9+$0x0], $0xffff  }
0x81: {  	v7 =	vmul.u32 v8, v3;
	v8 =	vmul.u32 $0x9E3779B9, v10;
	v10 =	vld [tilespmem:s15+$0xFFFFFF20]  }
0x82: {  	s14 =	simm.s32 $0x4C80;
	v11 =	vadd.f32 $0.0e+00, v11;
	v9 =	vadd.f32 $0.0e+00, v9;
	v12 =	vld [tilespmem:s15+$0xFFFFFFA0]  }
0x83: {  	v6 =	vld [tilespmem:s23+$0xFFFFFF30];
	v7 =	vxor.u32 v7, v8;
	[tilespmem:s14+$0x0] =	vst v5  }
0x84: {  	v8 =	vmul.u32 v11, v3;
	v5 =	vmul.u32 $0x9E3779B9, v9;
	v7 =	vshrl.u32 v7, $0x15;
	v9 =	vld [tilespmem:s16+$0x10]  }
0x85: {  	v11 =	vld [tilespmem:s16+$0x90];
	[tilespmem:s13+$0x20] =	vst v4  }
0x86: {  	v4 =	vxor.u32 v8, v5;
	v5 =	vld [tilespmem:s15+$0x30]  }
0x87: {  	v8 =	vadd.f32 $0.0e+00, v10;
	v10 =	vadd.f32 $0.0e+00, v12;
	v4 =	vshrl.u32 v4, $0x15;
	v12 =	vld [tilespmem:s15+$0xB0]  }
0x88: {  	v13 =	vld [tilespmem:s23+$0xFFFFFFB0]  }
0x89: {  	v8 =	vmul.u32 v8, v3;
	v10 =	vmul.u32 $0x9E3779B9, v10;
	v7 =	vld.idx.msk [tilespmem:v7+s9+$0x0], $0xffff  }
0x8a: {  	v6 =	vadd.f32 $0.0e+00, v6  }
0x8b: {  	v8 =	vxor.u32 v8, v10;
	v9 =	vadd.f32 $0.0e+00, v9;
	v10 =	vadd.f32 $0.0e+00, v11  }
0x8c: {  	v8 =	vshrl.u32 v8, $0x15;
	v4 =	vld.idx.msk [tilespmem:v4+s9+$0x0], $0xffff;
	v5 =	vadd.f32 $0.0e+00, v5;
	v11 =	vadd.f32 $0.0e+00, v12  }
0x8d: {  	v13 =	vadd.f32 $0.0e+00, v13;
	v9 =	vmul.u32 v9, v3;
	v10 =	vmul.u32 $0x9E3779B9, v10  }
0x8e: {  	[tilespmem:s12+$0x40] =	vst v7;
	v5 =	vmul.u32 v5, v3;
	v7 =	vmul.u32 $0x9E3779B9, v11  }
0x8f: {  	v6 =	vmul.u32 v6, v3;
	v13 =	vmul.u32 $0x9E3779B9, v13;
	v9 =	vxor.u32 v9, v10;
	v11 =	vld [tilespmem:s23+$0x50]  }
0x90: {  	v10 =	vld [tilespmem:s23+$0xD0];
	v9 =	vshrl.u32 v9, $0x15;
	v5 =	vxor.u32 v5, v7  }
0x91: {  	v6 =	vxor.u32 v6, v13;
	[tilespmem:s14+$0xFFFFFF80] =	vst v4;
	v4 =	vld.idx.msk [tilespmem:v8+s9+$0x0], $0xffff;
	v5 =	vshrl.u32 v5, $0x15  }
0x92: {  	v6 =	vshrl.u32 v6, $0x15;
	v7 =	vld [tilespmem:s16+$0xFFFFFF10]  }
0x93: {  	s18 =	simm.s32 $0x1100;
	v8 =	vld [tilespmem:s16+$0xFFFFFF90]  }
0x94: {  	v13 =	vld [tilespmem:s18+$0x80]  }
0x95: {  	v11 =	vadd.f32 $0.0e+00, v11;
	v9 =	vld.idx.msk [tilespmem:v9+s9+$0x0], $0xffff  }
0x96: {  	v10 =	vadd.f32 $0.0e+00, v10;
	[tilespmem:s13+$0xFFFFFFA0] =	vst v4;
	v4 =	vld.idx.msk [tilespmem:v5+s9+$0x0], $0xffff  }
0x97: {  	v6 =	vld.idx.msk [tilespmem:v6+s9+$0x0], $0xffff;
	v5 =	vmul.u32 v11, v3  }
0x98: {  	v10 =	vmul.u32 $0x9E3779B9, v10;
	v11 =	vld [tilespmem:s15+$0xFFFFFF30];
	v7 =	vadd.f32 $0.0e+00, v7;
	v8 =	vadd.f32 $0.0e+00, v8  }
0x99: {  	v12 =	vld [tilespmem:s15+$0xFFFFFFB0]  }
0x9a: {  	v5 =	vxor.u32 v5, v10;
	v10 =	vld [tilespmem:s18+$0x0];
	v7 =	vmul.u32 v7, v3;
	v8 =	vmul.u32 $0x9E3779B9, v8;
	[tilespmem:s14+$0x10] =	vst v9  }
0x9b: {  	v5 =	vshrl.u32 v5, $0x15;
	v9 =	vld [tilespmem:s16+$0x20];
	[tilespmem:s13+$0x30] =	vst v4  }
0x9c: {  	v4 =	vxor.u32 v7, v8;
	v7 =	vld [tilespmem:s15+$0x40]  }
0x9d: {  	v4 =	vshrl.u32 v4, $0x15;
	v8 =	vld [tilespmem:s15+$0xC0]  }
0x9e: {  	v13 =	vadd.f32 $0.0e+00, v13;
	v14 =	vld [tilespmem:s16+$0xA0]  }
0x9f: {  	v15 =	vld [tilespmem:s18+$0xFFFFFF80];
	v11 =	vadd.f32 $0.0e+00, v11;
	v10 =	vadd.f32 $0.0e+00, v10  }
0xa0: {  	v12 =	vadd.f32 $0.0e+00, v12;
	v5 =	vld.idx.msk [tilespmem:v5+s9+$0x0], $0xffff  }
0xa1: {  	v16 =	vld [tilespmem:s18+$0xFFFFFF00];
	v13 =	vmul.u32 $0x9E3779B9, v13;
	v11 =	vmul.u32 v11, v3;
	v10 =	vmul.u32 v10, v3  }
0xa2: {  	[tilespmem:s12+$0xFFFFFFB0] =	vst v6;
	v6 =	vmul.u32 $0x9E3779B9, v12;
	v4 =	vld.idx.msk [tilespmem:v4+s9+$0x0], $0xffff;
	v7 =	vadd.f32 $0.0e+00, v7;
	v8 =	vadd.f32 $0.0e+00, v8  }
0xa3: {  	v12 =	vld [tilespmem:s23+$0xFFFFFF40];
	v9 =	vadd.f32 $0.0e+00, v9;
	v14 =	vadd.f32 $0.0e+00, v14;
	v10 =	vxor.u32 v10, v13  }
0xa4: {  	v10 =	vshrl.u32 v10, $0x15;
	v7 =	vmul.u32 v7, v3;
	v8 =	vmul.u32 $0x9E3779B9, v8  }
0xa5: {  	v13 =	vld [tilespmem:s23+$0xFFFFFFC0];
	v9 =	vmul.u32 v9, v3;
	[tilespmem:s12+$0x50] =	vst v5  }
0xa6: {  	v5 =	vxor.u32 v11, v6;
	v11 =	vmul.u32 $0x9E3779B9, v14;
	v6 =	vld [tilespmem:s23+$0x60];
	v7 =	vxor.u32 v7, v8  }
0xa7: {  	v14 =	vadd.f32 $0.0e+00, v15;
	v15 =	vadd.f32 $0.0e+00, v16;
	v8 =	vld [tilespmem:s23+$0xE0];
	[tilespmem:s14+$0xFFFFFF90] =	vst v4;
	v4 =	vshrl.u32 v7, $0x15  }
0xa8: {  	v5 =	vshrl.u32 v5, $0x15;
	v9 =	vxor.u32 v9, v11;
	v7 =	vadd.f32 $0.0e+00, v12;
	v11 =	vld [tilespmem:s16+$0xFFFFFF20]  }
0xa9: {  	v12 =	vmul.u32 $0x9E3779B9, v14;
	v9 =	vshrl.u32 v9, $0x15;
	v14 =	vmul.u32 v15, v3;
	v10 =	vld.idx.msk [tilespmem:v10+s9+$0x0], $0xffff  }
0xaa: {  	s19 =	simm.s32 $0x1300;
	v13 =	vadd.f32 $0.0e+00, v13;
	v15 =	vld [tilespmem:s16+$0xFFFFFFA0]  }
0xab: {  	v17 =	vld [tilespmem:s19+$0x80];
	v7 =	vmul.u32 v7, v3;
	v12 =	vxor.u32 v14, v12  }
0xac: {  	v13 =	vmul.u32 $0x9E3779B9, v13;
	v6 =	vadd.f32 $0.0e+00, v6;
	v12 =	vshrl.u32 v12, $0x15;
	v4 =	vld.idx.msk [tilespmem:v4+s9+$0x0], $0xffff  }
0xad: {  	s17 =	simm.s32 $0x4D80;
	v5 =	vld.idx.msk [tilespmem:v5+s9+$0x0], $0xffff;
	v8 =	vadd.f32 $0.0e+00, v8  }
0xae: {  	v7 =	vxor.u32 v7, v13;
	v6 =	vmul.u32 v6, v3;
	v9 =	vld.idx.msk [tilespmem:v9+s9+$0x0], $0xffff;
	[tilespmem:s17+$0x0] =	vst v10  }
0xaf: {  	v8 =	vmul.u32 $0x9E3779B9, v8;
	v10 =	vadd.f32 $0.0e+00, v11;
	v11 =	vadd.f32 $0.0e+00, v15;
	v13 =	vld [tilespmem:s18+$0x10]  }
0xb0: {  	v7 =	vshrl.u32 v7, $0x15;
	v14 =	vld [tilespmem:s18+$0x90]  }
0xb1: {  	v6 =	vxor.u32 v6, v8;
	v8 =	vld.idx.msk [tilespmem:v12+s9+$0x0], $0xffff;
	v10 =	vmul.u32 v10, v3;
	v11 =	vmul.u32 $0x9E3779B9, v11;
	[tilespmem:s13+$0x40] =	vst v4  }
0xb2: {  	v4 =	vshrl.u32 v6, $0x15;
	v6 =	vld [tilespmem:s15+$0x50]  }
0xb3: {  	[tilespmem:s14+$0x20] =	vst v9;
	v9 =	vxor.u32 v10, v11;
	v10 =	vld [tilespmem:s15+$0xD0]  }
0xb4: {  	v11 =	vld [tilespmem:s16+$0x30];
	v9 =	vshrl.u32 v9, $0x15  }
0xb5: {  	v12 =	vadd.f32 $0.0e+00, v13;
	v13 =	vadd.f32 $0.0e+00, v14;
	v14 =	vld [tilespmem:s16+$0xB0]  }
0xb6: {  	s21 =	simm.s32 $0x1500;
	v7 =	vld.idx.msk [tilespmem:v7+s9+$0x0], $0xffff  }
0xb7: {  	v21 =	vld [tilespmem:s21+$0xFFFFFF00];
	[tilespmem:s13+$0xFFFFFFB0] =	vst v5;
	v5 =	vmul.u32 v12, v3;
	v12 =	vmul.u32 $0x9E3779B9, v13  }
0xb8: {  	v16 =	vld [tilespmem:s19+$0x0];
	v6 =	vadd.f32 $0.0e+00, v6;
	v10 =	vadd.f32 $0.0e+00, v10  }
0xb9: {  	[tilespmem:s17+$0xFFFFFF80] =	vst v8;
	v5 =	vxor.u32 v5, v12;
	v8 =	vld.idx.msk [tilespmem:v9+s9+$0x0], $0xffff;
	v9 =	vadd.f32 $0.0e+00, v11  }
0xba: {  	v13 =	vld [tilespmem:s15+$0xFFFFFF40];
	v12 =	vadd.f32 $0.0e+00, v14;
	v6 =	vmul.u32 v6, v3;
	v10 =	vmul.u32 $0x9E3779B9, v10  }
0xbb: {  	[tilespmem:s12+$0xFFFFFFC0] =	vst v7;
	v7 =	vld [tilespmem:s15+$0xFFFFFFC0];
	v5 =	vshrl.u32 v5, $0x15  }
0xbc: {  	v11 =	vld [tilespmem:s18+$0xFFFFFF10];
	v9 =	vmul.u32 v9, v3;
	v12 =	vmul.u32 $0x9E3779B9, v12;
	v6 =	vxor.u32 v6, v10  }
0xbd: {  	v15 =	vld [tilespmem:s23+$0xFFFFFFD0];
	v6 =	vshrl.u32 v6, $0x15  }
0xbe: {  	v14 =	vld [tilespmem:s18+$0xFFFFFF90];
	[tilespmem:s14+$0xFFFFFFA0] =	vst v8;
	v8 =	vxor.u32 v9, v12  }
0xbf: {  	v10 =	vld [tilespmem:s23+$0xFFFFFF50];
	v8 =	vshrl.u32 v8, $0x15  }
0xc0: {  	v5 =	vld.idx.msk [tilespmem:v5+s9+$0x0], $0xffff  }
0xc1: {  	v9 =	vld [tilespmem:s16+$0xFFFFFF30]  }
0xc2: {  	v11 =	vadd.f32 $0.0e+00, v11;
	v6 =	vld.idx.msk [tilespmem:v6+s9+$0x0], $0xffff  }
0xc3: {  	v12 =	vld [tilespmem:s16+$0xFFFFFFB0];
	v14 =	vadd.f32 $0.0e+00, v14  }
0xc4: {  	v13 =	vadd.f32 $0.0e+00, v13;
	v7 =	vadd.f32 $0.0e+00, v7;
	v11 =	vmul.u32 v11, v3;
	v8 =	vld.idx.msk [tilespmem:v8+s9+$0x0], $0xffff  }
0xc5: {  	v4 =	vld.idx.msk [tilespmem:v4+s9+$0x0], $0xffff;
	v10 =	vadd.f32 $0.0e+00, v10;
	[tilespmem:s17+$0x10] =	vst v5;
	v5 =	vmul.u32 $0x9E3779B9, v14;
	v14 =	vadd.f32 $0.0e+00, v15  }
0xc6: {  	v13 =	vmul.u32 v13, v3;
	v7 =	vmul.u32 $0x9E3779B9, v7;
	v15 =	vld [tilespmem:s18+$0x20]  }
0xc7: {  	v10 =	vmul.u32 v10, v3;
	v18 =	vld [tilespmem:s18+$0xA0];
	v5 =	vxor.u32 v11, v5;
	v11 =	vmul.u32 $0x9E3779B9, v14;
	[tilespmem:s13+$0x50] =	vst v6  }
0xc8: {  	v6 =	vxor.u32 v13, v7;
	v7 =	vadd.f32 $0.0e+00, v9;
	v9 =	vadd.f32 $0.0e+00, v12;
	v12 =	vld [tilespmem:s15+$0x60]  }
0xc9: {  	v5 =	vshrl.u32 v5, $0x15;
	[tilespmem:s14+$0x30] =	vst v8;
	v8 =	vld [tilespmem:s15+$0xE0]  }
0xca: {  	v10 =	vxor.u32 v10, v11;
	v13 =	vadd.f32 $0.0e+00, v16;
	v16 =	vadd.f32 $0.0e+00, v17;
	v11 =	vld [tilespmem:s16+$0x40]  }
0xcb: {  	v6 =	vshrl.u32 v6, $0x15;
	v7 =	vmul.u32 v7, v3;
	v9 =	vmul.u32 $0x9E3779B9, v9;
	v17 =	vld [tilespmem:s16+$0xC0]  }
0xcc: {  	v14 =	vld [tilespmem:s19+$0xFFFFFF80];
	v10 =	vshrl.u32 v10, $0x15;
	v13 =	vmul.u32 v13, v3;
	v16 =	vmul.u32 $0x9E3779B9, v16  }
0xcd: {  	v7 =	vxor.u32 v7, v9;
	v9 =	vadd.f32 $0.0e+00, v15;
	v15 =	vadd.f32 $0.0e+00, v18;
	v18 =	vld [tilespmem:s19+$0xFFFFFF00]  }
0xce: {  	[tilespmem:s12+$0x60] =	vst v4;
	v4 =	vld.idx.msk [tilespmem:v5+s9+$0x0], $0xffff;
	v5 =	vxor.u32 v13, v16;
	v7 =	vshrl.u32 v7, $0x15  }
0xcf: {  	v13 =	vld [tilespmem:s23+$0x70];
	v5 =	vshrl.u32 v5, $0x15;
	v12 =	vadd.f32 $0.0e+00, v12;
	v8 =	vadd.f32 $0.0e+00, v8  }
0xd0: {  	v9 =	vmul.u32 v9, v3;
	v6 =	vld.idx.msk [tilespmem:v6+s9+$0x0], $0xffff;
	v11 =	vadd.f32 $0.0e+00, v11;
	v16 =	vadd.f32 $0.0e+00, v17  }
0xd1: {  	v15 =	vmul.u32 $0x9E3779B9, v15;
	v10 =	vld.idx.msk [tilespmem:v10+s9+$0x0], $0xffff;
	v12 =	vmul.u32 v12, v3;
	v8 =	vmul.u32 $0x9E3779B9, v8  }
0xd2: {  	v14 =	vadd.f32 $0.0e+00, v14;
	v17 =	vld [tilespmem:s23+$0xF0];
	v11 =	vmul.u32 v11, v3;
	v16 =	vmul.u32 $0x9E3779B9, v16  }
0xd3: {  	v9 =	vxor.u32 v9, v15;
	v15 =	vadd.f32 $0.0e+00, v18;
	v7 =	vld.idx.msk [tilespmem:v7+s9+$0x0], $0xffff;
	v8 =	vxor.u32 v12, v8  }
0xd4: {  	v9 =	vshrl.u32 v9, $0x15;
	[tilespmem:s17+$0xFFFFFF90] =	vst v4;
	v5 =	vld.idx.msk [tilespmem:v5+s9+$0x0], $0xffff;
	v4 =	vshrl.u32 v8, $0x15;
	v8 =	vxor.u32 v11, v16  }
0xd5: {  	v14 =	vmul.u32 $0x9E3779B9, v14;
	v12 =	vmul.u32 v15, v3;
	v11 =	vld [tilespmem:s18+$0xFFFFFF20];
	[tilespmem:s13+$0xFFFFFFC0] =	vst v6;
	v8 =	vshrl.u32 v8, $0x15  }
0xd6: {  	[tilespmem:s12+$0xFFFFFFD0] =	vst v10;
	v10 =	vld [tilespmem:s15+$0xFFFFFFD0]  }
0xd7: {  	v12 =	vxor.u32 v12, v14;
	v14 =	vld [tilespmem:s18+$0xFFFFFFA0]  }
0xd8: {  	v20 =	vld [tilespmem:s23+$0xFFFFFFE0]  }
0xd9: {  	v12 =	vshrl.u32 v12, $0x15;
	v9 =	vld.idx.msk [tilespmem:v9+s9+$0x0], $0xffff  }
0xda: {  	s20 =	simm.s32 $0x4E80;
	[tilespmem:s14+$0xFFFFFFB0] =	vst v7;
	v7 =	vld.idx.msk [tilespmem:v8+s9+$0x0], $0xffff  }
0xdb: {  	[tilespmem:s20+$0x0] =	vst v5;
	v4 =	vld.idx.msk [tilespmem:v4+s9+$0x0], $0xffff  }
0xdc: {  	v5 =	vadd.f32 $0.0e+00, v11;
	v15 =	vld [tilespmem:s19+$0x90];
	v11 =	vadd.f32 $0.0e+00, v14  }
0xdd: {  	v14 =	vld [tilespmem:s19+$0x10]  }
0xde: {  	v5 =	vmul.u32 v5, v3;
	v12 =	vld.idx.msk [tilespmem:v12+s9+$0x0], $0xffff;
	[tilespmem:s17+$0x20] =	vst v9;
	v9 =	vmul.u32 $0x9E3779B9, v11  }
0xdf: {  	v11 =	vld [tilespmem:s18+$0x30];
	[tilespmem:s14+$0x40] =	vst v7  }
0xe0: {  	[tilespmem:s13+$0x60] =	vst v4;
	v4 =	vxor.u32 v5, v9;
	v7 =	vld [tilespmem:s16+$0x50]  }
0xe1: {  	v5 =	vld [tilespmem:s16+$0xD0];
	v4 =	vshrl.u32 v4, $0x15  }
0xe2: {  	v16 =	vld [tilespmem:s18+$0xB0];
	v15 =	vadd.f32 $0.0e+00, v15;
	v14 =	vadd.f32 $0.0e+00, v14  }
0xe3: {  	v6 =	vld [tilespmem:s16+$0xFFFFFFC0]  }
0xe4: {  	v9 =	vld [tilespmem:s15+$0x70];
	v15 =	vmul.u32 $0x9E3779B9, v15;
	v14 =	vmul.u32 v14, v3  }
0xe5: {  	v13 =	vadd.f32 $0.0e+00, v13;
	v18 =	vld [tilespmem:s15+$0xF0]  }
0xe6: {  	v14 =	vxor.u32 v14, v15;
	v7 =	vadd.f32 $0.0e+00, v7;
	v5 =	vadd.f32 $0.0e+00, v5;
	v4 =	vld.idx.msk [tilespmem:v4+s9+$0x0], $0xffff  }
0xe7: {  	v8 =	vld [tilespmem:s16+$0xFFFFFF40];
	[tilespmem:s20+$0xFFFFFF80] =	vst v12;
	v11 =	vadd.f32 $0.0e+00, v11;
	v15 =	vadd.f32 $0.0e+00, v16;
	v14 =	vshrl.u32 v14, $0x15  }
0xe8: {  	v13 =	vmul.u32 v13, v3;
	v19 =	vld [tilespmem:s19+$0xFFFFFF90];
	v7 =	vmul.u32 v7, v3;
	v5 =	vmul.u32 $0x9E3779B9, v5  }
0xe9: {  	v10 =	vadd.f32 $0.0e+00, v10;
	v12 =	vld [tilespmem:s19+$0xFFFFFF10];
	v11 =	vmul.u32 v11, v3;
	v15 =	vmul.u32 $0x9E3779B9, v15  }
0xea: {  	v16 =	vadd.f32 $0.0e+00, v17;
	v17 =	vld [tilespmem:s15+$0xFFFFFF50];
	v9 =	vadd.f32 $0.0e+00, v9;
	v5 =	vxor.u32 v7, v5  }
0xeb: {  	v7 =	vld [tilespmem:s23+$0xFFFFFF60];
	v5 =	vshrl.u32 v5, $0x15;
	[tilespmem:s17+$0xFFFFFFA0] =	vst v4;
	v4 =	vxor.u32 v11, v15;
	v15 =	vadd.f32 $0.0e+00, v18  }
0xec: {  	v6 =	vadd.f32 $0.0e+00, v6;
	v16 =	vmul.u32 $0x9E3779B9, v16;
	v14 =	vld.idx.msk [tilespmem:v14+s9+$0x0], $0xffff;
	v4 =	vshrl.u32 v4, $0x15  }
0xed: {  	v9 =	vmul.u32 v9, v3;
	v18 =	vadd.f32 $0.0e+00, v19;
	v11 =	vld [tilespmem:s18+$0xFFFFFF30];
	v15 =	vmul.u32 $0x9E3779B9, v15  }
0xee: {  	v8 =	vadd.f32 $0.0e+00, v8;
	v12 =	vadd.f32 $0.0e+00, v12;
	v13 =	vxor.u32 v13, v16;
	v16 =	vld [tilespmem:s18+$0xFFFFFFB0]  }
0xef: {  	v9 =	vxor.u32 v9, v15;
	v15 =	vadd.f32 $0.0e+00, v17;
	v17 =	vmul.u32 $0x9E3779B9, v18;
	v18 =	vld [tilespmem:s21+$0x80]  }
0xf0: {  	v6 =	vmul.u32 $0x9E3779B9, v6;
	v8 =	vmul.u32 v8, v3;
	v5 =	vld.idx.msk [tilespmem:v5+s9+$0x0], $0xffff  }
0xf1: {  	v10 =	vmul.u32 $0x9E3779B9, v10;
	v12 =	vmul.u32 v12, v3;
	v4 =	vld.idx.msk [tilespmem:v4+s9+$0x0], $0xffff  }
0xf2: {  	v6 =	vxor.u32 v8, v6;
	v13 =	vshrl.u32 v13, $0x15;
	v19 =	vld [tilespmem:s21+$0x0];
	[tilespmem:s20+$0x10] =	vst v14;
	v14 =	vmul.u32 v15, v3  }
0xf3: {  	v7 =	vadd.f32 $0.0e+00, v7;
	v15 =	vld [tilespmem:s19+$0x20];
	v12 =	vxor.u32 v12, v17;
	v17 =	vadd.f32 $0.0e+00, v20  }
0xf4: {  	v47 =	vld [tilespmem:s19+$0xA0];
	v8 =	vadd.f32 $0.0e+00, v11;
	v12 =	vshrl.u32 v12, $0x15;
	v10 =	vxor.u32 v14, v10  }
0xf5: {  	v11 =	vld [tilespmem:s21+$0xFFFFFF80];
	v14 =	vadd.f32 $0.0e+00, v16;
	[tilespmem:s14+$0x50] =	vst v5;
	v5 =	vmul.u32 v7, v3;
	v7 =	vmul.u32 $0x9E3779B9, v17  }
0xf6: {  	v9 =	vshrl.u32 v9, $0x15;
	v18 =	vadd.f32 $0.0e+00, v18;
	v17 =	vshrl.u32 v6, $0x15;
	v16 =	vld [tilespmem:s16+$0x60];
	[tilespmem:s17+$0x30] =	vst v4  }
0xf7: {  	v6 =	vmul.u32 v8, v3;
	v5 =	vxor.u32 v5, v7;
	v7 =	vmul.u32 $0x9E3779B9, v14;
	v8 =	vld [tilespmem:s18+$0x40]  }
0xf8: {  	v10 =	vshrl.u32 v10, $0x15;
	v14 =	vshrl.u32 v5, $0x15;
	v5 =	vadd.f32 $0.0e+00, v19;
	v19 =	vld [tilespmem:s18+$0xC0]  }
0xf9: {  	v4 =	vld [tilespmem:s16+$0xE0];
	v18 =	vmul.u32 $0x9E3779B9, v18;
	v6 =	vxor.u32 v6, v7;
	v7 =	vadd.f32 $0.0e+00, v15  }
0xfa: {  	s24 =	simm.s32 $0x1700;
	v12 =	vld.idx.msk [tilespmem:v12+s9+$0x0], $0xffff;
	v15 =	vadd.f32 $0.0e+00, v47;
	v48 =	vshrl.u32 v6, $0x15;
	v6 =	vmul.u32 v5, v3  }
0xfb: {  	v22 =	vld [tilespmem:s24+$0x0]  }
0xfc: {  	v11 =	vadd.f32 $0.0e+00, v11;
	v5 =	vld.idx.msk [tilespmem:v13+s9+$0x0], $0xffff;
	v13 =	vmul.u32 $0x9E3779B9, v15;
	v15 =	vxor.u32 v6, v18  }
0xfd: {  	v6 =	vld.idx.msk [tilespmem:v9+s9+$0x0], $0xffff;
	v8 =	vadd.f32 $0.0e+00, v8;
	v9 =	vshrl.u32 v15, $0x15;
	v15 =	vadd.f32 $0.0e+00, v19  }
0xfe: {  	v10 =	vld.idx.msk [tilespmem:v10+s9+$0x0], $0xffff;
	v7 =	vmul.u32 v7, v3;
	v16 =	vadd.f32 $0.0e+00, v16;
	v4 =	vadd.f32 $0.0e+00, v4  }
0xff: {  	v17 =	vld.idx.msk [tilespmem:v17+s9+$0x0], $0xffff;
	v18 =	vadd.f32 $0.0e+00, v21;
	[tilespmem:s20+$0xFFFFFF90] =	vst v12;
	v8 =	vmul.u32 v8, v3;
	v15 =	vmul.u32 $0x9E3779B9, v15  }
0x100: {  	v7 =	vxor.u32 v7, v13;
	v13 =	vmul.u32 v16, v3;
	v4 =	vmul.u32 $0x9E3779B9, v4;
	v12 =	vld [tilespmem:s19+$0xFFFFFF20]  }
0x101: {  	v11 =	vmul.u32 $0x9E3779B9, v11;
	v7 =	vshrl.u32 v7, $0x15;
	v16 =	vld.idx.msk [tilespmem:v48+s9+$0x0], $0xffff;
	v8 =	vxor.u32 v8, v15  }
0x102: {  	v4 =	vxor.u32 v13, v4;
	v13 =	vld.idx.msk [tilespmem:v14+s9+$0x0], $0xffff;
	v14 =	vmul.u32 v18, v3;
	v8 =	vshrl.u32 v8, $0x15  }
0x103: {  	v4 =	vshrl.u32 v4, $0x15;
	v9 =	vld.idx.msk [tilespmem:v9+s9+$0x0], $0xffff  }
0x104: {  	[tilespmem:s13+$0xFFFFFFD0] =	vst v10;
	v11 =	vxor.u32 v14, v11;
	v14 =	vld [tilespmem:s19+$0xFFFFFFA0]  }
0x105: {  	v50 =	vld [tilespmem:s15+$0xFFFFFFE0]  }
0x106: {  	v11 =	vshrl.u32 v11, $0x15;
	v7 =	vld.idx.msk [tilespmem:v7+s9+$0x0], $0xffff  }
0x107: {  	s22 =	simm.s32 $0x4F80;
	v8 =	vld.idx.msk [tilespmem:v8+s9+$0x0], $0xffff  }
0x108: {  	v4 =	vld.idx.msk [tilespmem:v4+s9+$0x0], $0xffff;
	[tilespmem:s22+$0x0] =	vst v9  }
0x109: {  	v9 =	vadd.f32 $0.0e+00, v12;
	v12 =	vadd.f32 $0.0e+00, v14;
	v14 =	vld [tilespmem:s21+$0x10]  }
0x10a: {  	[tilespmem:s17+$0xFFFFFFB0] =	vst v16;
	v16 =	vld [tilespmem:s21+$0x90]  }
0x10b: {  	v11 =	vld.idx.msk [tilespmem:v11+s9+$0x0], $0xffff;
	[tilespmem:s20+$0x20] =	vst v7;
	v7 =	vmul.u32 v9, v3;
	v9 =	vmul.u32 $0x9E3779B9, v12  }
0x10c: {  	v12 =	vld [tilespmem:s19+$0x30];
	[tilespmem:s17+$0x40] =	vst v8  }
0x10d: {  	[tilespmem:s14+$0x60] =	vst v4;
	v4 =	vxor.u32 v7, v9;
	v8 =	vld [tilespmem:s18+$0x50]  }
0x10e: {  	v4 =	vshrl.u32 v4, $0x15;
	v7 =	vld [tilespmem:s18+$0xD0]  }
0x10f: {  	[tilespmem:s14+$0xFFFFFFC0] =	vst v17;
	v18 =	vld [tilespmem:s19+$0xB0];
	v14 =	vadd.f32 $0.0e+00, v14;
	v16 =	vadd.f32 $0.0e+00, v16  }
0x110: {  	v10 =	vld [tilespmem:s16+$0xFFFFFFD0]  }
0x111: {  	v15 =	vld [tilespmem:s18+$0xFFFFFF40];
	v14 =	vmul.u32 v14, v3;
	v16 =	vmul.u32 $0x9E3779B9, v16  }
0x112: {  	v9 =	vld [tilespmem:s16+$0x70]  }
0x113: {  	v14 =	vxor.u32 v14, v16;
	v4 =	vld.idx.msk [tilespmem:v4+s9+$0x0], $0xffff;
	v8 =	vadd.f32 $0.0e+00, v8;
	v7 =	vadd.f32 $0.0e+00, v7  }
0x114: {  	v19 =	vld [tilespmem:s16+$0xF0];
	[tilespmem:s22+$0xFFFFFF80] =	vst v11;
	v12 =	vadd.f32 $0.0e+00, v12;
	v17 =	vadd.f32 $0.0e+00, v18;
	v14 =	vshrl.u32 v14, $0x15  }
0x115: {  	v11 =	vld [tilespmem:s21+$0xFFFFFF10];
	v8 =	vmul.u32 v8, v3;
	v7 =	vmul.u32 $0x9E3779B9, v7  }
0x116: {  	v49 =	vld [tilespmem:s21+$0xFFFFFF90];
	v12 =	vmul.u32 v12, v3;
	v17 =	vmul.u32 $0x9E3779B9, v17  }
0x117: {  	v18 =	vld [tilespmem:s16+$0xFFFFFF50];
	v7 =	vxor.u32 v8, v7  }
0x118: {  	v16 =	vld [tilespmem:s18+$0xFFFFFFC0];
	[tilespmem:s20+$0xFFFFFFA0] =	vst v4;
	v4 =	vxor.u32 v12, v17;
	v7 =	vshrl.u32 v7, $0x15  }
0x119: {  	v9 =	vadd.f32 $0.0e+00, v9;
	v17 =	vadd.f32 $0.0e+00, v19;
	v4 =	vshrl.u32 v4, $0x15;
	v14 =	vld.idx.msk [tilespmem:v14+s9+$0x0], $0xffff  }
0x11a: {  	v21 =	vadd.f32 $0.0e+00, v50;
	v8 =	vld [tilespmem:s15+$0xFFFFFF60]  }
0x11b: {  	v9 =	vmul.u32 v9, v3;
	v12 =	vadd.f32 $0.0e+00, v15;
	v15 =	vld [tilespmem:s19+$0xFFFFFF30];
	v17 =	vmul.u32 $0x9E3779B9, v17  }
0x11c: {  	v11 =	vadd.f32 $0.0e+00, v11;
	v19 =	vadd.f32 $0.0e+00, v49;
	v51 =	vld [tilespmem:s19+$0xFFFFFFB0]  }
0x11d: {  	v16 =	vadd.f32 $0.0e+00, v16;
	v9 =	vxor.u32 v9, v17;
	v17 =	vadd.f32 $0.0e+00, v18;
	v7 =	vld.idx.msk [tilespmem:v7+s9+$0x0], $0xffff  }
0x11e: {  	v10 =	vadd.f32 $0.0e+00, v10;
	v11 =	vmul.u32 v11, v3;
	v19 =	vmul.u32 $0x9E3779B9, v19;
	v4 =	vld.idx.msk [tilespmem:v4+s9+$0x0], $0xffff;
	[tilespmem:s22+$0x10] =	vst v14  }
0x11f: {  	v8 =	vadd.f32 $0.0e+00, v8;
	v14 =	vmul.u32 $0x9E3779B9, v16;
	v16 =	vmul.u32 v17, v3;
	v17 =	vld [tilespmem:s21+$0x20]  }
0x120: {  	v10 =	vmul.u32 $0x9E3779B9, v10;
	v12 =	vmul.u32 v12, v3;
	v11 =	vxor.u32 v11, v19;
	v52 =	vld [tilespmem:s21+$0xA0]  }
0x121: {  	v18 =	vld [tilespmem:s24+$0x80];
	v15 =	vadd.f32 $0.0e+00, v15;
	v19 =	vadd.f32 $0.0e+00, v51;
	v8 =	vmul.u32 v8, v3  }
0x122: {  	v12 =	vxor.u32 v12, v14;
	v14 =	vld [tilespmem:s24+$0xFFFFFF80];
	v10 =	vxor.u32 v16, v10;
	v16 =	vmul.u32 $0x9E3779B9, v21;
	[tilespmem:s17+$0x50] =	vst v7  }
0x123: {  	v7 =	vshrl.u32 v12, $0x15;
	v12 =	vmul.u32 v15, v3;
	v15 =	vmul.u32 $0x9E3779B9, v19;
	v19 =	vld [tilespmem:s18+$0x60]  }
0x124: {  	v11 =	vshrl.u32 v11, $0x15;
	v10 =	vshrl.u32 v10, $0x15;
	[tilespmem:s20+$0x30] =	vst v4;
	v4 =	vld [tilespmem:s18+$0xE0]  }
0x125: {  	[tilespmem:s12+$0xFFFFFFE0] =	vst v13;
	v8 =	vxor.u32 v8, v16;
	v53 =	vld [tilespmem:s19+$0x40];
	v16 =	vadd.f32 $0.0e+00, v17;
	v13 =	vadd.f32 $0.0e+00, v52  }
0x126: {  	v18 =	vadd.f32 $0.0e+00, v18;
	v17 =	vld [tilespmem:s19+$0xC0];
	v12 =	vxor.u32 v12, v15;
	v15 =	vadd.f32 $0.0e+00, v22  }
0x127: {  	v54 =	vld [tilespmem:s24+$0xFFFFFF00];
	v8 =	vshrl.u32 v8, $0x15;
	v16 =	vmul.u32 v16, v3;
	v13 =	vmul.u32 $0x9E3779B9, v13  }
0x128: {  	v55 =	vld [tilespmem:s23+$0xFFFFFF70];
	v18 =	vmul.u32 $0x9E3779B9, v18;
	v12 =	vshrl.u32 v12, $0x15;
	v15 =	vmul.u32 v15, v3  }
0x129: {  	v11 =	vld.idx.msk [tilespmem:v11+s9+$0x0], $0xffff;
	v14 =	vadd.f32 $0.0e+00, v14;
	v13 =	vxor.u32 v16, v13  }
0x12a: {  	v10 =	vld.idx.msk [tilespmem:v10+s9+$0x0], $0xffff;
	v15 =	vxor.u32 v15, v18;
	v18 =	vadd.f32 $0.0e+00, v19;
	v4 =	vadd.f32 $0.0e+00, v4  }
0x12b: {  	v7 =	vld.idx.msk [tilespmem:v7+s9+$0x0], $0xffff;
	v16 =	vadd.f32 $0.0e+00, v53;
	v17 =	vadd.f32 $0.0e+00, v17;
	v13 =	vshrl.u32 v13, $0x15  }
0x12c: {  	v8 =	vld.idx.msk [tilespmem:v8+s9+$0x0], $0xffff;
	v19 =	vadd.f32 $0.0e+00, v54;
	v18 =	vmul.u32 v18, v3;
	v4 =	vmul.u32 $0x9E3779B9, v4  }
0x12d: {  	v15 =	vshrl.u32 v15, $0x15;
	v12 =	vld.idx.msk [tilespmem:v12+s9+$0x0], $0xffff;
	v16 =	vmul.u32 v16, v3;
	v17 =	vmul.u32 $0x9E3779B9, v17  }
0x12e: {  	[tilespmem:s22+$0xFFFFFF90] =	vst v11;
	v4 =	vxor.u32 v18, v4;
	v18 =	vmul.u32 v19, v3;
	v19 =	vld [tilespmem:s23+$0xFFFFFFF0]  }
0x12f: {  	v14 =	vmul.u32 $0x9E3779B9, v14;
	v11 =	vxor.u32 v16, v17;
	v16 =	vld [tilespmem:s21+$0xFFFFFF20];
	v4 =	vshrl.u32 v4, $0x15  }
0x130: {  	v11 =	vshrl.u32 v11, $0x15;
	v13 =	vld.idx.msk [tilespmem:v13+s9+$0x0], $0xffff  }
0x131: {  	v17 =	vld [tilespmem:s21+$0xFFFFFFA0];
	v14 =	vxor.u32 v18, v14  }
0x132: {  	[tilespmem:s17+$0xFFFFFFC0] =	vst v7;
	v15 =	vld.idx.msk [tilespmem:v15+s9+$0x0], $0xffff;
	v14 =	vshrl.u32 v14, $0x15  }
0x133: {  	[tilespmem:s14+$0xFFFFFFD0] =	vst v10;
	v10 =	vld [tilespmem:s18+$0xFFFFFFD0]  }
0x134: {  	v4 =	vld.idx.msk [tilespmem:v4+s9+$0x0], $0xffff  }
0x135: {  	v11 =	vld.idx.msk [tilespmem:v11+s9+$0x0], $0xffff;
	[tilespmem:s22+$0x20] =	vst v13  }
0x136: {  	s25 =	simm.s32 $0x5080;
	v13 =	vld [tilespmem:s21+$0x30]  }
0x137: {  	[tilespmem:s25+$0x0] =	vst v15;
	v14 =	vld.idx.msk [tilespmem:v14+s9+$0x0], $0xffff  }
0x138: {  	v16 =	vadd.f32 $0.0e+00, v16;
	v17 =	vadd.f32 $0.0e+00, v17;
	v15 =	vld [tilespmem:s24+$0x10]  }
0x139: {  	v18 =	vld [tilespmem:s24+$0x90];
	[tilespmem:s17+$0x60] =	vst v4  }
0x13a: {  	v4 =	vmul.u32 v16, v3;
	v16 =	vmul.u32 $0x9E3779B9, v17;
	v17 =	vld [tilespmem:s18+$0x70]  }
0x13b: {  	v56 =	vadd.f32 $0.0e+00, v55;
	[tilespmem:s20+$0x40] =	vst v11;
	v11 =	vld [tilespmem:s18+$0xF0]  }
0x13c: {  	v57 =	vld [tilespmem:s19+$0xD0]  }
0x13d: {  	v20 =	vmul.u32 v56, v3;
	v19 =	vadd.f32 $0.0e+00, v19;
	v4 =	vxor.u32 v4, v16;
	v16 =	vld [tilespmem:s19+$0x50]  }
0x13e: {  	v15 =	vadd.f32 $0.0e+00, v15;
	v18 =	vadd.f32 $0.0e+00, v18;
	[tilespmem:s25+$0xFFFFFF80] =	vst v14;
	v14 =	vld [tilespmem:s21+$0xB0];
	v4 =	vshrl.u32 v4, $0x15  }
0x13f: {  	v9 =	vshrl.u32 v9, $0x15;
	[tilespmem:s20+$0xFFFFFFB0] =	vst v12;
	v10 =	vadd.f32 $0.0e+00, v10;
	v19 =	vmul.u32 $0x9E3779B9, v19;
	v12 =	vld [tilespmem:s24+$0xFFFFFF90]  }
0x140: {  	v13 =	vadd.f32 $0.0e+00, v13;
	v58 =	vld [tilespmem:s24+$0xFFFFFF10];
	v15 =	vmul.u32 v15, v3;
	v18 =	vmul.u32 $0x9E3779B9, v18  }
0x141: {  	v59 =	vld [tilespmem:s19+$0xFFFFFF40];
	v19 =	vxor.u32 v20, v19;
	v17 =	vadd.f32 $0.0e+00, v17;
	v11 =	vadd.f32 $0.0e+00, v11  }
0x142: {  	v7 =	vld [tilespmem:s19+$0xFFFFFFC0];
	v15 =	vxor.u32 v15, v18;
	v18 =	vadd.f32 $0.0e+00, v57;
	v16 =	vadd.f32 $0.0e+00, v16  }
0x143: {  	v15 =	vshrl.u32 v15, $0x15;
	v4 =	vld.idx.msk [tilespmem:v4+s9+$0x0], $0xffff;
	v17 =	vmul.u32 v17, v3;
	v11 =	vmul.u32 $0x9E3779B9, v11  }
0x144: {  	v9 =	vld.idx.msk [tilespmem:v9+s9+$0x0], $0xffff;
	v14 =	vadd.f32 $0.0e+00, v14;
	v18 =	vmul.u32 $0x9E3779B9, v18;
	v12 =	vadd.f32 $0.0e+00, v12  }
0x145: {  	[tilespmem:s13+$0xFFFFFFE0] =	vst v8;
	v60 =	vld [tilespmem:s18+$0xFFFFFF50];
	v16 =	vmul.u32 v16, v3;
	v11 =	vxor.u32 v17, v11;
	v17 =	vadd.f32 $0.0e+00, v58  }
0x146: {  	v23 =	vld [tilespmem:s15+$0xFFFFFF70];
	v13 =	vmul.u32 v13, v3;
	v14 =	vmul.u32 $0x9E3779B9, v14;
	v12 =	vmul.u32 $0x9E3779B9, v12  }
0x147: {  	v61 =	vld [tilespmem:s16+$0xFFFFFF60];
	v11 =	vshrl.u32 v11, $0x15;
	v8 =	vxor.u32 v16, v18;
	v16 =	vmul.u32 v17, v3  }
0x148: {  	v7 =	vadd.f32 $0.0e+00, v7;
	v18 =	vld [tilespmem:s16+$0xFFFFFFE0];
	v17 =	vadd.f32 $0.0e+00, v59;
	v62 =	vshrl.u32 v8, $0x15;
	[tilespmem:s22+$0xFFFFFFA0] =	vst v4  }
0x149: {  	v8 =	vxor.u32 v13, v14;
	v4 =	vshrl.u32 v19, $0x15;
	v13 =	vxor.u32 v16, v12;
	v12 =	vld [tilespmem:s21+$0xFFFFFF30]  }
0x14a: {  	v19 =	vadd.f32 $0.0e+00, v60;
	v14 =	vmul.u32 v17, v3;
	v17 =	vld.idx.msk [tilespmem:v15+s9+$0x0], $0xffff;
	v16 =	vshrl.u32 v8, $0x15  }
0x14b: {  	[tilespmem:s13+$0x70] =	vst v6;
	v6 =	vadd.f32 $0.0e+00, v23;
	v63 =	vmul.u32 $0x9E3779B9, v7;
	v15 =	vld [tilespmem:s21+$0xFFFFFFB0]  }
0x14c: {  	[tilespmem:s12+$0x70] =	vst v5;
	v10 =	vmul.u32 $0x9E3779B9, v10;
	v8 =	vadd.f32 $0.0e+00, v61;
	v7 =	vmul.u32 v19, v3;
	v5 =	vld.idx.msk [tilespmem:v11+s9+$0x0], $0xffff  }
0x14d: {  	s26 =	simm.s32 $0xC;
	s28 =	simm.s32 $0x1900;
	[tilespmem:s14+$0x70] =	vst v9;
	s23 =	simm.s32 $0x5080;
	v13 =	vshrl.u32 v13, $0x15;
	v9 =	vadd.f32 $0.0e+00, v18;
	v14 =	vxor.u32 v14, v63;
	v11 =	vld.idx.msk [tilespmem:v62+s9+$0x0], $0xffff  }
.LBB2_4:
0x14e: {  	v18 =	vld [tilespmem:s28+$0x0];
	v12 =	vadd.f32 $0.0e+00, v12;
	v14 =	vshrl.u32 v14, $0x15;
	v7 =	vxor.u32 v7, v10  }
0x14f: {  	v8 =	vmul.u32 v8, v3;
	v9 =	vmul.u32 $0x9E3779B9, v9;
	v10 =	vld.idx.msk [tilespmem:v16+s9+$0x0], $0xffff;
	v7 =	vshrl.u32 v7, $0x15  }
0x150: {  	v6 =	vmul.u32 v6, v3;
	v16 =	vld [tilespmem:s28+$0x80];
	[tilespmem:s25+$0x10] =	vst v17;
	v12 =	vmul.u32 v12, v3  }
0x151: {  	v17 =	vld [tilespmem:s24+$0x20];
	v15 =	vadd.f32 $0.0e+00, v15;
	[tilespmem:s17+$0x70] =	vst v5;
	v5 =	vxor.u32 v8, v9  }
0x152: {  	v8 =	vld [tilespmem:s24+$0xA0];
	v5 =	vshrl.u32 v5, $0x15  }
0x153: {  	v9 =	vld [tilespmem:s28+$0xFFFFFF80];
	v15 =	vmul.u32 $0x9E3779B9, v15;
	[tilespmem:s20+$0x50] =	vst v11  }
0x154: {  	v11 =	vld [tilespmem:s19+$0x60]  }
0x155: {  	v12 =	vxor.u32 v12, v15;
	[tilespmem:s22+$0x30] =	vst v10;
	v10 =	vld [tilespmem:s19+$0xE0]  }
0x156: {  	v15 =	vadd.f32 $0.0e+00, v18;
	v16 =	vadd.f32 $0.0e+00, v16;
	v12 =	vshrl.u32 v12, $0x15;
	v18 =	vld [tilespmem:s21+$0x40]  }
0x157: {  	v17 =	vadd.f32 $0.0e+00, v17;
	v8 =	vadd.f32 $0.0e+00, v8;
	v19 =	vld [tilespmem:s21+$0xC0]  }
0x158: {  	v15 =	vmul.u32 v15, v3;
	v16 =	vmul.u32 $0x9E3779B9, v16;
	v20 =	vld [tilespmem:s28+$0xFFFFFF00];
	v9 =	vadd.f32 $0.0e+00, v9  }
0x159: {  	v17 =	vmul.u32 v17, v3;
	v13 =	vld.idx.msk [tilespmem:v13+s9+$0x0], $0xffff;
	v8 =	vmul.u32 $0x9E3779B9, v8  }
0x15a: {  	v15 =	vxor.u32 v15, v16;
	v11 =	vadd.f32 $0.0e+00, v11;
	v14 =	vld.idx.msk [tilespmem:v14+s9+$0x0], $0xffff;
	v10 =	vadd.f32 $0.0e+00, v10  }
0x15b: {  	v15 =	vshrl.u32 v15, $0x15;
	v8 =	vxor.u32 v17, v8;
	v12 =	vld.idx.msk [tilespmem:v12+s9+$0x0], $0xffff;
	v16 =	vadd.f32 $0.0e+00, v18  }
0x15c: {  	v11 =	vmul.u32 v11, v3;
	v17 =	vadd.f32 $0.0e+00, v19;
	v10 =	vmul.u32 $0x9E3779B9, v10;
	v7 =	vld.idx.msk [tilespmem:v7+s9+$0x0], $0xffff  }
0x15d: {  	v9 =	vmul.u32 $0x9E3779B9, v9;
	v8 =	vshrl.u32 v8, $0x15;
	v18 =	vadd.f32 $0.0e+00, v20;
	v5 =	vld.idx.msk [tilespmem:v5+s9+$0x0], $0xffff  }
0x15e: {  	v16 =	vmul.u32 v16, v3;
	v17 =	vmul.u32 $0x9E3779B9, v17;
	v10 =	vxor.u32 v11, v10;
	v11 =	vld [tilespmem:s15+$0xFFFFFFF0];
	s15 =	smov.u32 s16;
	s16 =	smov.u32 s18;
	s18 =	smov.u32 s19  }
0x15f: {  	s19 =	smov.u32 s21;
	s21 =	smov.u32 s24;
	s24 =	smov.u32 s28;
	v18 =	vmul.u32 v18, v3;
	[tilespmem:s25+$0xFFFFFF90] =	vst v13;
	v10 =	vshrl.u32 v10, $0x15;
	v4 =	vld.idx.msk [tilespmem:v4+s9+$0x0], $0xffff  }
0x160: {  	v13 =	vld [tilespmem:s21+$0xFFFFFF20];
	v16 =	vxor.u32 v16, v17;
	[tilespmem:s20+$0xFFFFFFC0] =	vst v14  }
0x161: {  	v9 =	vxor.u32 v18, v9;
	v14 =	vld.idx.msk [tilespmem:v15+s9+$0x0], $0xffff;
	[tilespmem:s22+$0xFFFFFFB0] =	vst v12;
	v12 =	vshrl.u32 v16, $0x15  }
0x162: {  	s26 =	sadd.s32 $0x2, s26;
	v9 =	vshrl.u32 v9, $0x15;
	v15 =	vld [tilespmem:s21+$0xFFFFFFA0];
	[tilespmem:s17+$0xFFFFFFD0] =	vst v7  }
0x163: {  	p0 =	slt.u32 s26, $0x3E;
	v7 =	vld.idx.msk [tilespmem:v8+s9+$0x0], $0xffff;
	[tilespmem:s14+$0xFFFFFFE0] =	vst v5;
	v5 =	vadd.f32 $0.0e+00, v11  }
0x164: {  	v8 =	vld.idx.msk [tilespmem:v10+s9+$0x0], $0xffff  }
0x165: {  	v10 =	vadd.f32 $0.0e+00, v13;
	v11 =	vld [tilespmem:s19+$0xFFFFFF40];
	v5 =	vmul.u32 $0x9E3779B9, v5;
	[tilespmem:s12+$0xFFFFFFF0] =	vst v4;
	s12 =	smov.u32 s13;
	s13 =	smov.u32 s14;
	s14 =	smov.u32 s17  }
0x166: {  	s25 =	sadd.s32 $0x100, s25;
	s17 =	smov.u32 s20;
	s20 =	smov.u32 s22;
	v12 =	vld.idx.msk [tilespmem:v12+s9+$0x0], $0xffff  }
0x167: {  	s22 =	smov.u32 s23;
	s23 =	smov.u32 s25;
	v9 =	vld.idx.msk [tilespmem:v9+s9+$0x0], $0xffff;
	[tilespmem:s25+$0x0] =	vst v14;
	v13 =	vadd.f32 $0.0e+00, v15;
	v10 =	vmul.u32 v10, v3;
	v4 =	vxor.u32 v6, v5  }
0x168: {  	v5 =	vld [tilespmem:s28+$0x10];
	v4 =	vshrl.u32 v4, $0x15  }
0x169: {  	v6 =	vld [tilespmem:s28+$0x90];
	v13 =	vmul.u32 $0x9E3779B9, v13;
	[tilespmem:s22+$0x20] =	vst v7  }
0x16a: {  	v7 =	vld [tilespmem:s21+$0x30];
	v11 =	vadd.f32 $0.0e+00, v11;
	[tilespmem:s17+$0x60] =	vst v8  }
0x16b: {  	v8 =	vxor.u32 v10, v13;
	v10 =	vld [tilespmem:s18+$0x70]  }
0x16c: {  	v8 =	vshrl.u32 v8, $0x15;
	v11 =	vmul.u32 v11, v3;
	[tilespmem:s20+$0x40] =	vst v12;
	v12 =	vld [tilespmem:s18+$0xF0]  }
0x16d: {  	[tilespmem:s25+$0xFFFFFF80] =	vst v9;
	v9 =	vld [tilespmem:s19+$0x50]  }
0x16e: {  	v5 =	vadd.f32 $0.0e+00, v5;
	v6 =	vadd.f32 $0.0e+00, v6;
	v13 =	vld [tilespmem:s19+$0xD0]  }
0x16f: {  	v14 =	vld [tilespmem:s21+$0xB0]  }
0x170: {  	v5 =	vmul.u32 v5, v3;
	v15 =	vld [tilespmem:s28+$0xFFFFFF10];
	v6 =	vmul.u32 $0x9E3779B9, v6  }
0x171: {  	v10 =	vadd.f32 $0.0e+00, v10;
	v16 =	vld [tilespmem:s28+$0xFFFFFF90];
	v12 =	vadd.f32 $0.0e+00, v12  }
0x172: {  	v5 =	vxor.u32 v5, v6;
	v6 =	vld.idx.msk [tilespmem:v8+s9+$0x0], $0xffff;
	v8 =	vadd.f32 $0.0e+00, v9  }
0x173: {  	v10 =	vmul.u32 v10, v3;
	v9 =	vld [tilespmem:s19+$0xFFFFFFC0];
	v13 =	vadd.f32 $0.0e+00, v13;
	v12 =	vmul.u32 $0x9E3779B9, v12  }
0x174: {  	v7 =	vadd.f32 $0.0e+00, v7;
	v5 =	vshrl.u32 v5, $0x15;
	v14 =	vadd.f32 $0.0e+00, v14;
	v17 =	vld [tilespmem:s18+$0xFFFFFF50]  }
0x175: {  	v8 =	vmul.u32 v8, v3;
	v13 =	vmul.u32 $0x9E3779B9, v13;
	v18 =	vld [tilespmem:s18+$0xFFFFFFD0];
	v10 =	vxor.u32 v10, v12  }
0x176: {  	v12 =	vadd.f32 $0.0e+00, v15;
	v15 =	vadd.f32 $0.0e+00, v16;
	v10 =	vshrl.u32 v10, $0x15;
	v19 =	vld [tilespmem:s16+$0xFFFFFF60]  }
0x177: {  	v7 =	vmul.u32 v7, v3;
	v14 =	vmul.u32 $0x9E3779B9, v14;
	v8 =	vxor.u32 v8, v13;
	v20 =	vld [tilespmem:s16+$0xFFFFFFE0]  }
0x178: {  	v13 =	vmul.u32 v12, v3;
	v15 =	vmul.u32 $0x9E3779B9, v15;
	[tilespmem:s22+$0xFFFFFFA0] =	vst v6;
	v6 =	vshrl.u32 v8, $0x15;
	v21 =	vld [tilespmem:s15+$0xFFFFFF70]  }
.Ltmp1:
0x179: {  	v7 =	vxor.u32 v7, v14;
	v8 =	vadd.f32 $0.0e+00, v9;
	v12 =	vld [tilespmem:s21+$0xFFFFFF30];
	v9 =	vadd.f32 $0.0e+00, v17;
	(pc) =	sbr.rel @p0 .LBB2_4-.Ltmp1, $4  }
0x17a: {  	v16 =	vshrl.u32 v7, $0x15;
	v13 =	vxor.u32 v13, v15;
	v17 =	vld.idx.msk [tilespmem:v5+s9+$0x0], $0xffff;
	v14 =	vadd.f32 $0.0e+00, v18  }
0x17b: {  	v18 =	vmul.u32 $0x9E3779B9, v8;
	v13 =	vshrl.u32 v13, $0x15;
	v7 =	vmul.u32 v9, v3;
	v5 =	vld.idx.msk [tilespmem:v10+s9+$0x0], $0xffff  }
0x17c: {  	v8 =	vadd.f32 $0.0e+00, v19;
	v15 =	vld [tilespmem:s21+$0xFFFFFFB0];
	v10 =	vmul.u32 $0x9E3779B9, v14;
	v9 =	vadd.f32 $0.0e+00, v20  }
0x17d: {  	s28 =	sadd.s32 $0x200, s28;
	v14 =	vxor.u32 v11, v18;
	v11 =	vld.idx.msk [tilespmem:v6+s9+$0x0], $0xffff;
	v6 =	vadd.f32 $0.0e+00, v21  }
0x17e: {  	_ =	sdelay $0x3  }
0x17f: {  	v13 =	vld.idx.msk [tilespmem:v13+s9+$0x0], $0xffff;
	[tilespmem:s25+$0x10] =	vst v17  }
0x180: {  	v17 =	vld [tilespmem:s24+$0x20]  }
0x181: {  	v18 =	vld [tilespmem:s24+$0xA0];
	_ =	sdelay $0x2  }
0x182: {  	[tilespmem:s25+$0xFFFFFF90] =	vst v13  }
0x183: {  	v47 =	vld [tilespmem:s24+$0xFFFFFF20]  }
0x184: {  	v48 =	vld [tilespmem:s24+$0xFFFFFFA0];
	v17 =	vadd.f32 $0.0e+00, v17;
	v18 =	vadd.f32 $0.0e+00, v18;
	_ =	sdelay $0x1  }
0x185: {  	v17 =	vmul.u32 v17, v3;
	v18 =	vmul.u32 $0x9E3779B9, v18;
	_ =	sdelay $0x1  }
0x186: {  	v46 =	vxor.u32 v17, v18  }
0x187: {  	v17 =	vadd.f32 $0.0e+00, v47;
	v18 =	vadd.f32 $0.0e+00, v48;
	v13 =	vshrl.u32 v46, $0x15;
	_ =	sdelay $0x1  }
0x188: {  	v17 =	vmul.u32 v17, v3;
	v18 =	vmul.u32 $0x9E3779B9, v18;
	_ =	sdelay $0x1  }
0x189: {  	v17 =	vxor.u32 v17, v18  }
0x18a: {  	v49 =	vshrl.u32 v17, $0x15;
	v13 =	vld.idx.msk [tilespmem:v13+s9+$0x0], $0xffff;
	_ =	sdelay $0x4  }
0x18b: {  	[tilespmem:s23+$0x20] =	vst v13;
	v13 =	vld.idx.msk [tilespmem:v49+s9+$0x0], $0xffff  }
0x18c: {  	v50 =	vld [tilespmem:s24+$0x30]  }
0x18d: {  	v12 =	vadd.f32 $0.0e+00, v12;
	v15 =	vadd.f32 $0.0e+00, v15;
	v51 =	vld [tilespmem:s24+$0xB0];
	_ =	sdelay $0x1  }
0x18e: {  	v16 =	vld.idx.msk [tilespmem:v16+s9+$0x0], $0xffff;
	v12 =	vmul.u32 v12, v3;
	v15 =	vmul.u32 $0x9E3779B9, v15  }
0x18f: {  	[tilespmem:s23+$0xFFFFFFA0] =	vst v13  }
0x190: {  	v12 =	vxor.u32 v12, v15;
	v13 =	vld [tilespmem:s24+$0xFFFFFF30]  }
0x191: {  	v12 =	vshrl.u32 v12, $0x15;
	v17 =	vadd.f32 $0.0e+00, v50;
	v18 =	vadd.f32 $0.0e+00, v51;
	v52 =	vld [tilespmem:s24+$0xFFFFFFB0];
	_ =	sdelay $0x1  }
0x192: {  	[tilespmem:s22+$0x30] =	vst v16;
	v17 =	vmul.u32 v17, v3;
	v18 =	vmul.u32 $0x9E3779B9, v18  }
0x193: {  	v16 =	vld [tilespmem:s21+$0x40]  }
0x194: {  	v19 =	vld [tilespmem:s21+$0xC0];
	v17 =	vxor.u32 v17, v18  }
0x195: {  	v12 =	vld.idx.msk [tilespmem:v12+s9+$0x0], $0xffff;
	v17 =	vshrl.u32 v17, $0x15;
	v13 =	vadd.f32 $0.0e+00, v13;
	v18 =	vadd.f32 $0.0e+00, v52;
	_ =	sdelay $0x1  }
0x196: {  	v13 =	vmul.u32 v13, v3;
	v53 =	vmul.u32 $0x9E3779B9, v18;
	_ =	sdelay $0x1  }
0x197: {  	v16 =	vadd.f32 $0.0e+00, v16;
	v54 =	vadd.f32 $0.0e+00, v19;
	v13 =	vxor.u32 v13, v53  }
0x198: {  	[tilespmem:s22+$0xFFFFFFB0] =	vst v12;
	v17 =	vld.idx.msk [tilespmem:v17+s9+$0x0], $0xffff;
	v13 =	vshrl.u32 v13, $0x15  }
0x199: {  	v55 =	vmul.u32 v16, v3;
	v56 =	vmul.u32 $0x9E3779B9, v54;
	v59 =	vld [tilespmem:s21+$0xFFFFFF40]  }
0x19a: {  	v60 =	vld [tilespmem:s21+$0xFFFFFFC0]  }
0x19b: {  	v15 =	vxor.u32 v55, v56  }
0x19c: {  	v15 =	vshrl.u32 v15, $0x15  }
0x19d: {  	[tilespmem:s23+$0x30] =	vst v17;
	v13 =	vld.idx.msk [tilespmem:v13+s9+$0x0], $0xffff  }
0x19e: {  	v17 =	vld [tilespmem:s24+$0x40]  }
0x19f: {  	v22 =	vadd.f32 $0.0e+00, v59;
	v18 =	vadd.f32 $0.0e+00, v60;
	v57 =	vld [tilespmem:s24+$0xC0];
	_ =	sdelay $0x1  }
0x1a0: {  	v58 =	vld.idx.msk [tilespmem:v15+s9+$0x0], $0xffff;
	v12 =	vmul.u32 v22, v3;
	v18 =	vmul.u32 $0x9E3779B9, v18  }
0x1a1: {  	[tilespmem:s23+$0xFFFFFFB0] =	vst v13  }
0x1a2: {  	v25 =	vxor.u32 v12, v18;
	v63 =	vld [tilespmem:s24+$0xFFFFFF40]  }
0x1a3: {  	[tilespmem:s20+$0x50] =	vst v11;
	v11 =	vshrl.u32 v25, $0x15;
	v17 =	vadd.f32 $0.0e+00, v17;
	v16 =	vadd.f32 $0.0e+00, v57;
	v21 =	vld [tilespmem:s24+$0xFFFFFFC0];
	_ =	sdelay $0x1  }
0x1a4: {  	v61 =	vshrl.u32 v14, $0x15;
	[tilespmem:s22+$0x40] =	vst v58;
	v17 =	vmul.u32 v17, v3;
	v16 =	vmul.u32 $0x9E3779B9, v16  }
0x1a5: {  	v23 =	vld [tilespmem:s21+$0x50]  }
0x1a6: {  	v24 =	vld [tilespmem:s21+$0xD0];
	v62 =	vxor.u32 v17, v16  }
0x1a7: {  	v11 =	vld.idx.msk [tilespmem:v11+s9+$0x0], $0xffff;
	v14 =	vshrl.u32 v62, $0x15;
	v16 =	vadd.f32 $0.0e+00, v63;
	v17 =	vadd.f32 $0.0e+00, v21;
	_ =	sdelay $0x1  }
0x1a8: {  	v13 =	vld.idx.msk [tilespmem:v61+s9+$0x0], $0xffff;
	v26 =	vmul.u32 v16, v3;
	v27 =	vmul.u32 $0x9E3779B9, v17  }
0x1a9: {  	v28 =	vld [tilespmem:s19+$0x60]  }
0x1aa: {  	v30 =	vld [tilespmem:s19+$0xE0];
	v12 =	vxor.u32 v26, v27  }
0x1ab: {  	v15 =	vadd.f32 $0.0e+00, v23;
	v29 =	vadd.f32 $0.0e+00, v24;
	[tilespmem:s22+$0xFFFFFFC0] =	vst v11;
	v14 =	vld.idx.msk [tilespmem:v14+s9+$0x0], $0xffff;
	v12 =	vshrl.u32 v12, $0x15  }
0x1ac: {  	v11 =	vld [tilespmem:s21+$0xFFFFFF50]  }
0x1ad: {  	v15 =	vmul.u32 v15, v3;
	v31 =	vmul.u32 $0x9E3779B9, v29;
	v41 =	vld [tilespmem:s21+$0xFFFFFFD0];
	[tilespmem:s20+$0xFFFFFFC0] =	vst v13  }
0x1ae: {  	v7 =	vxor.u32 v7, v10;
	v13 =	vld [tilespmem:s19+$0xFFFFFF50]  }
0x1af: {  	v7 =	vshrl.u32 v7, $0x15;
	v15 =	vxor.u32 v15, v31;
	v33 =	vld [tilespmem:s19+$0xFFFFFFD0]  }
0x1b0: {  	v15 =	vshrl.u32 v15, $0x15;
	[tilespmem:s23+$0x40] =	vst v14;
	v34 =	vld.idx.msk [tilespmem:v12+s9+$0x0], $0xffff  }
0x1b1: {  	v14 =	vld [tilespmem:s24+$0x50]  }
0x1b2: {  	v8 =	vmul.u32 v8, v3;
	v9 =	vmul.u32 $0x9E3779B9, v9;
	v32 =	vld [tilespmem:s24+$0xD0]  }
0x1b3: {  	v35 =	vadd.f32 $0.0e+00, v28  }
0x1b4: {  	v8 =	vxor.u32 v8, v9;
	v7 =	vld.idx.msk [tilespmem:v7+s9+$0x0], $0xffff;
	v39 =	vadd.f32 $0.0e+00, v13;
	v40 =	vadd.f32 $0.0e+00, v33  }
0x1b5: {  	v8 =	vshrl.u32 v8, $0x15;
	v36 =	vadd.f32 $0.0e+00, v30;
	v15 =	vld.idx.msk [tilespmem:v15+s9+$0x0], $0xffff;
	v11 =	vadd.f32 $0.0e+00, v11;
	[tilespmem:s23+$0xFFFFFFC0] =	vst v34  }
0x1b6: {  	v45 =	vadd.f32 $0.0e+00, v41;
	v13 =	vmul.u32 $0x9E3779B9, v40;
	v12 =	vmul.u32 v39, v3;
	v43 =	vld [tilespmem:s24+$0xFFFFFF50]  }
0x1b7: {  	v14 =	vadd.f32 $0.0e+00, v14;
	v16 =	vadd.f32 $0.0e+00, v32;
	v44 =	vld [tilespmem:s24+$0xFFFFFFD0]  }
0x1b8: {  	v11 =	vmul.u32 v11, v3;
	v12 =	vxor.u32 v12, v13;
	v13 =	vmul.u32 $0x9E3779B9, v45  }
0x1b9: {  	v12 =	vshrl.u32 v12, $0x15;
	v14 =	vmul.u32 v14, v3;
	v16 =	vmul.u32 $0x9E3779B9, v16  }
0x1ba: {  	v37 =	vmul.u32 v35, v3;
	v11 =	vxor.u32 v11, v13  }
0x1bb: {  	v8 =	vld.idx.msk [tilespmem:v8+s9+$0x0], $0xffff;
	[tilespmem:s17+$0xFFFFFFD0] =	vst v7;
	v38 =	vmul.u32 $0x9E3779B9, v36;
	v11 =	vshrl.u32 v11, $0x15;
	v42 =	vxor.u32 v14, v16  }
0x1bc: {  	v52 =	vld [tilespmem:s18+$0xFFFFFF60];
	[tilespmem:s22+$0x50] =	vst v15;
	v10 =	vshrl.u32 v42, $0x15;
	v14 =	vadd.f32 $0.0e+00, v43;
	v46 =	vadd.f32 $0.0e+00, v44  }
0x1bd: {  	v9 =	vxor.u32 v37, v38;
	v47 =	vld [tilespmem:s21+$0x60]  }
0x1be: {  	v9 =	vshrl.u32 v9, $0x15;
	v51 =	vld.idx.msk [tilespmem:v12+s9+$0x0], $0xffff;
	v49 =	vmul.u32 v14, v3;
	v50 =	vmul.u32 $0x9E3779B9, v46  }
0x1bf: {  	v48 =	vld [tilespmem:s21+$0xE0]  }
0x1c0: {  	v57 =	vld.idx.msk [tilespmem:v11+s9+$0x0], $0xffff;
	v13 =	vxor.u32 v49, v50  }
0x1c1: {  	v10 =	vld.idx.msk [tilespmem:v10+s9+$0x0], $0xffff;
	v54 =	vshrl.u32 v13, $0x15  }
0x1c2: {  	v53 =	vld [tilespmem:s18+$0xFFFFFFE0]  }
0x1c3: {  	v9 =	vld.idx.msk [tilespmem:v9+s9+$0x0], $0xffff;
	[tilespmem:s20+$0xFFFFFFD0] =	vst v51  }
0x1c4: {  	v17 =	vadd.f32 $0.0e+00, v48;
	v16 =	vadd.f32 $0.0e+00, v47;
	v59 =	vld [tilespmem:s19+$0xFFFFFF60]  }
0x1c5: {  	v60 =	vld [tilespmem:s19+$0xFFFFFFE0];
	[tilespmem:s22+$0xFFFFFFD0] =	vst v57  }
0x1c6: {  	v17 =	vmul.u32 $0x9E3779B9, v17;
	v16 =	vmul.u32 v16, v3;
	[tilespmem:s23+$0x50] =	vst v10;
	v10 =	vld.idx.msk [tilespmem:v54+s9+$0x0], $0xffff  }
0x1c7: {  	v58 =	vadd.f32 $0.0e+00, v52;
	v14 =	vadd.f32 $0.0e+00, v53;
	v23 =	vld [tilespmem:s21+$0xFFFFFF60]  }
0x1c8: {  	v20 =	vxor.u32 v16, v17;
	v26 =	vld [tilespmem:s21+$0xFFFFFFE0]  }
0x1c9: {  	v62 =	vmul.u32 v58, v3;
	v63 =	vmul.u32 $0x9E3779B9, v14;
	v14 =	vshrl.u32 v20, $0x15;
	v55 =	vld [tilespmem:s24+$0x60]  }
0x1ca: {  	[tilespmem:s14+$0xFFFFFFE0] =	vst v8;
	v56 =	vld [tilespmem:s24+$0xE0]  }
0x1cb: {  	v35 =	vld [tilespmem:s16+$0xFFFFFFF0];
	v22 =	vxor.u32 v62, v63;
	v27 =	vadd.f32 $0.0e+00, v59;
	v28 =	vadd.f32 $0.0e+00, v60;
	[tilespmem:s23+$0xFFFFFFD0] =	vst v10  }
0x1cc: {  	v7 =	vshrl.u32 v22, $0x15;
	v29 =	vld [tilespmem:s24+$0xFFFFFF60]  }
0x1cd: {  	v12 =	vmul.u32 $0x9E3779B9, v28;
	v10 =	vmul.u32 v27, v3;
	v30 =	vld [tilespmem:s24+$0xFFFFFFE0]  }
0x1ce: {  	[tilespmem:s20+$0x60] =	vst v9;
	v14 =	vld.idx.msk [tilespmem:v14+s9+$0x0], $0xffff;
	v9 =	vadd.f32 $0.0e+00, v23;
	v33 =	vadd.f32 $0.0e+00, v26  }
0x1cf: {  	v31 =	vld [tilespmem:s19+$0xF0];
	v13 =	vadd.f32 $0.0e+00, v55;
	v15 =	vadd.f32 $0.0e+00, v56;
	v32 =	vxor.u32 v10, v12  }
0x1d0: {  	v61 =	vld [tilespmem:s15+$0xFFFFFFF0];
	v9 =	vmul.u32 v9, v3;
	v10 =	vmul.u32 $0x9E3779B9, v33;
	v8 =	vshrl.u32 v32, $0x15  }
0x1d1: {  	v7 =	vld.idx.msk [tilespmem:v7+s9+$0x0], $0xffff;
	v24 =	vmul.u32 v13, v3;
	v25 =	vmul.u32 $0x9E3779B9, v15  }
0x1d2: {  	v21 =	vld [tilespmem:s19+$0x70];
	v9 =	vxor.u32 v9, v10;
	v17 =	vadd.f32 $0.0e+00, v29;
	v13 =	vadd.f32 $0.0e+00, v30  }
0x1d3: {  	v34 =	vld [tilespmem:s16+$0xFFFFFF70];
	[tilespmem:s22+$0x60] =	vst v14;
	v11 =	vxor.u32 v24, v25;
	v9 =	vshrl.u32 v9, $0x15  }
0x1d4: {  	v14 =	vld [tilespmem:s21+$0x70];
	v11 =	vshrl.u32 v11, $0x15;
	v36 =	vmul.u32 v17, v3;
	v13 =	vmul.u32 $0x9E3779B9, v13  }
0x1d5: {  	v8 =	vld.idx.msk [tilespmem:v8+s9+$0x0], $0xffff  }
0x1d6: {  	v37 =	vld [tilespmem:s21+$0xF0];
	[tilespmem:s17+$0xFFFFFFE0] =	vst v7;
	v10 =	vxor.u32 v36, v13  }
0x1d7: {  	v38 =	vld [tilespmem:s18+$0xFFFFFF70];
	v10 =	vshrl.u32 v10, $0x15  }
0x1d8: {  	v9 =	vld.idx.msk [tilespmem:v9+s9+$0x0], $0xffff  }
0x1d9: {  	v11 =	vld.idx.msk [tilespmem:v11+s9+$0x0], $0xffff  }
0x1da: {  	v41 =	vadd.f32 $0.0e+00, v31;
	v40 =	vld [tilespmem:s18+$0xFFFFFFF0];
	[tilespmem:s20+$0xFFFFFFE0] =	vst v8  }
0x1db: {  	v16 =	vadd.f32 $0.0e+00, v21;
	v12 =	vadd.f32 $0.0e+00, v34;
	v44 =	vld [tilespmem:s19+$0xFFFFFF70]  }
0x1dc: {  	v6 =	vmul.u32 v6, v3;
	v39 =	vadd.f32 $0.0e+00, v61;
	v42 =	vmul.u32 $0x9E3779B9, v41;
	v10 =	vld.idx.msk [tilespmem:v10+s9+$0x0], $0xffff  }
0x1dd: {  	v16 =	vmul.u32 v16, v3;
	v15 =	vadd.f32 $0.0e+00, v35;
	v12 =	vmul.u32 v12, v3;
	v46 =	vld [tilespmem:s19+$0xFFFFFFF0];
	[tilespmem:s22+$0xFFFFFFE0] =	vst v9  }
0x1de: {  	v43 =	vadd.f32 $0.0e+00, v14;
	v7 =	vadd.f32 $0.0e+00, v37;
	v13 =	vmul.u32 $0x9E3779B9, v39;
	[tilespmem:s23+$0x60] =	vst v11;
	v49 =	vld [tilespmem:s21+$0xFFFFFF70]  }
0x1df: {  	v47 =	vmul.u32 $0x9E3779B9, v15;
	v17 =	vadd.f32 $0.0e+00, v38;
	v45 =	vadd.f32 $0.0e+00, v40;
	v11 =	vld [tilespmem:s24+$0x70]  }
0x1e0: {  	v7 =	vmul.u32 $0x9E3779B9, v7;
	v6 =	vxor.u32 v6, v13;
	v13 =	vmul.u32 v43, v3;
	v20 =	vld [tilespmem:s24+$0xF0]  }
0x1e1: {  	v17 =	vmul.u32 v17, v3;
	v50 =	vmul.u32 $0x9E3779B9, v45;
	v8 =	vxor.u32 v16, v42;
	v21 =	vld [tilespmem:s21+$0xFFFFFFF0];
	[tilespmem:s23+$0xFFFFFFE0] =	vst v10  }
0x1e2: {  	v6 =	vshrl.u32 v6, $0x15;
	v7 =	vxor.u32 v13, v7;
	v8 =	vshrl.u32 v8, $0x15;
	v51 =	vld [tilespmem:s24+$0xFFFFFF70]  }
0x1e3: {  	v9 =	vxor.u32 v12, v47;
	v7 =	vshrl.u32 v7, $0x15;
	v53 =	vadd.f32 $0.0e+00, v44;
	v52 =	vld [tilespmem:s24+$0xFFFFFFF0]  }
0x1e4: {  	v9 =	vshrl.u32 v9, $0x15;
	v54 =	vadd.f32 $0.0e+00, v46;
	v10 =	vxor.u32 v17, v50  }
0x1e5: {  	v13 =	vmul.u32 v53, v3;
	v11 =	vadd.f32 $0.0e+00, v11;
	v48 =	vadd.f32 $0.0e+00, v20  }
0x1e6: {  	v55 =	vadd.f32 $0.0e+00, v49;
	v56 =	vadd.f32 $0.0e+00, v21;
	v14 =	vmul.u32 $0x9E3779B9, v54  }
0x1e7: {  	v10 =	vshrl.u32 v10, $0x15;
	v11 =	vmul.u32 v11, v3;
	v15 =	vmul.u32 $0x9E3779B9, v48  }
0x1e8: {  	v16 =	vmul.u32 $0x9E3779B9, v56;
	v57 =	vadd.f32 $0.0e+00, v51;
	v12 =	vadd.f32 $0.0e+00, v52  }
0x1e9: {  	v4 =	vld.idx.msk [tilespmem:v4+s9+$0x0], $0xffff;
	v13 =	vxor.u32 v13, v14;
	v11 =	vxor.u32 v11, v15;
	v15 =	vmul.u32 v55, v3  }
0x1ea: {  	v6 =	vld.idx.msk [tilespmem:v6+s9+$0x0], $0xffff;
	v13 =	vshrl.u32 v13, $0x15;
	v3 =	vmul.u32 v57, v3;
	v12 =	vmul.u32 $0x9E3779B9, v12  }
0x1eb: {  	v8 =	vld.idx.msk [tilespmem:v8+s9+$0x0], $0xffff;
	v11 =	vshrl.u32 v11, $0x15;
	v58 =	vxor.u32 v15, v16  }
0x1ec: {  	v7 =	vld.idx.msk [tilespmem:v7+s9+$0x0], $0xffff;
	v14 =	vshrl.u32 v58, $0x15;
	v3 =	vxor.u32 v3, v12  }
0x1ed: {  	[tilespmem:s17+$0x70] =	vst v5;
	v59 =	vld.idx.msk [tilespmem:v9+s9+$0x0], $0xffff;
	v3 =	vshrl.u32 v3, $0x15  }
0x1ee: {  	[tilespmem:s12+$0xFFFFFFF0] =	vst v4;
	v61 =	vld.idx.msk [tilespmem:v10+s9+$0x0], $0xffff  }
0x1ef: {  	[tilespmem:s13+$0xFFFFFFF0] =	vst v6;
	v62 =	vld.idx.msk [tilespmem:v13+s9+$0x0], $0xffff  }
0x1f0: {  	[tilespmem:s20+$0x70] =	vst v8;
	v60 =	vld.idx.msk [tilespmem:v11+s9+$0x0], $0xffff  }
0x1f1: {  	[tilespmem:s22+$0x70] =	vst v7;
	v63 =	vld.idx.msk [tilespmem:v14+s9+$0x0], $0xffff  }
0x1f2: {  	[tilespmem:s14+$0xFFFFFFF0] =	vst v59;
	v3 =	vld.idx.msk [tilespmem:v3+s9+$0x0], $0xffff  }
0x1f3: {  	[tilespmem:s17+$0xFFFFFFF0] =	vst v61  }
0x1f4: {  	[tilespmem:s20+$0xFFFFFFF0] =	vst v62  }
0x1f5: {  	s11 =	sadd.s32 $0x1, s11;
	[tilespmem:s23+$0x70] =	vst v60  }
0x1f6: {  	p0 =	sne.s32 s11, s6;
	[tilespmem:s22+$0xFFFFFFF0] =	vst v63  }
.Ltmp2:
0x1f7: {  	[tilespmem:s23+$0xFFFFFFF0] =	vst v3;
	(pc) =	sbr.rel @p0 .LBB2_1-.Ltmp2, $4  }
0x1f8: {  	[hbm4b:s5+s2] =	stream.linear.scatter [tilespmem:s10], [sflag:$0x1], $0x2000, $0x38;
	[tilespmem:$0x6A00] =	vst v63  }
0x1f9: {  	_ =	swait.ge [sflag:s7], $0x2000  }
0x1fa: {  	[sflag:s7] =	ssyncset.done $0x0  }
0x1fb: {  	[sflag:s7] =	ssyncadd.s32 $0xFFFFE000  }
0x1fc: {  	_ =	sfence.sel $0x180000  }
0x1fd: {  	[bflag:$0x0] =	sbarrier.arrive $0xFFFF  }
0x1fe: {  	p0 =	sne.s32 s1, $0x0;
	_ =	strace $0x90000047  }
0x1ff: {  	s0 =	sadd.s32 @!p0 $0x100000, s0;
	[bflag:$0x2] =	sbarrier.arrive $0xFFFF  }
0x200: {  	[sflag:s0] =	ssyncadd.tile.s32 @!p0 $0x1;
	_ =	shalt  }
.Lfunc_end2:
_tile_overlayer_lowered:
.L_overlay_start_2:
0x201: {  	(tag) =	ssettag $0x2  }
0x202: {  	s0 =	rddreg [dreg:$0x0];
	s2 =	stileid.u32  }
0x203: {  	s1 =	rddreg [dreg:$0x1];
	p0 =	sne.s32 s2, $0x0  }
0x204: {  	s3 =	rddreg [dreg:$0x2];
	[bflag:$0x3] =	sbarrier.arrive $0xFFFF;
	s2 =	simm.s32 @!p0 $0x1C01  }
0x205: {  	[timem:s3], [sflag:s2] =	dma.local @!p0 [hbm:s0], s1  }
0x206: {  	s0 =	simm.s32 @!p0 $0x1  }
0x207: {  	_ =	swait.ge @!p0 [sflag:s0], s1  }
0x208: {  	s1 =	ssub.s32 @!p0 $0x0, s1;
	[sflag:s0] =	ssyncset.done @!p0 $0x0  }
0x209: {  	[sflag:s0] =	ssyncadd.s32 @!p0 s1  }
0x20a: {  	[bflag:$0x3] =	sbarrier.arrive $0xFFFF  }
0x20b: {  	_ =	shalt  }

</sc_bundles>
